<compile_context>
chip_gen: v7x
topology: tpu7x:2x2x1
jax: 0.10.2.dev20260603
libtpu: 0.0.44.dev20260713+nightly
codegen_flags: <defaults>
</compile_context>

<pallas_src>
import functools

import jax
import jax.numpy as jnp
from jax import lax
from jax.experimental import pallas as pl
from jax.experimental.pallas import tpu as pltpu
from jax.experimental.pallas import tpu_sc as plsc

N = 10000
E = 320000
D_IN = 128
NHID = 128
D_OUT = 64

NC = 2
NS = 16
C = 80
NCHP = E // NS // C
HALF = 5120
N_PAD = NC * HALF
A_ROWS = HALF + 8
RPT = HALF // NS
IVEC = C // 16
QMAX = NCHP + 2


@functools.cache
def _mesh():
    return plsc.VectorSubcoreMesh(core_axis_name="c", subcore_axis_name="s")


def _zero_fill(buf, width):
    rows = buf.shape[0]
    vecs = width // 16

    def body(k, _):
        i = k // vecs
        j = k % vecs
        buf[i, pl.ds(j * 16, 16)] = jnp.zeros((16,), jnp.float32)
        return 0

    lax.fori_loop(0, rows * vecs, body, 0)


@functools.cache
def _make_hop():

    @functools.partial(
        pl.kernel,
        mesh=_mesh(),
        out_type=jax.ShapeDtypeStruct((N_PAD, NHID), jnp.float32),
        scratch_types=[
            pltpu.VMEM((C,), jnp.int32),
            pltpu.VMEM((C,), jnp.int32),
            pltpu.VMEM((C,), jnp.int32),
            pltpu.VMEM((C,), jnp.int32),
            pltpu.VMEM((C, NHID), jnp.float32),
            pltpu.VMEM((C, NHID), jnp.float32),
            pltpu.VMEM_SHARED((A_ROWS, NHID), jnp.float32),
            pltpu.SemaphoreType.DMA,
            pltpu.SemaphoreType.DMA,
            pltpu.SemaphoreType.DMA,
            pltpu.SemaphoreType.DMA,
        ],
    )
    def hop(u_hbm, rows_hbm, lcol_hbm, y_hbm, ridxa, cidxa, ridxb, cidxb,
            gbufa, gbufb, acc, sema, semb, semia, semib):
        cid = lax.axis_index("c")
        sid = lax.axis_index("s")
        base = cid * HALF

        _zero_fill(gbufa, NHID)
        for b in range(RPT // C):
            pltpu.sync_copy(gbufa, acc.at[pl.ds(sid * RPT + b * C, C)])

        @pl.when(sid == 0)
        def _():
            pltpu.sync_copy(gbufa.at[pl.ds(0, 8)], acc.at[pl.ds(HALF, 8)])

        plsc.subcore_barrier()

        def idx_issue(j, ridx, cidx, semi):
            pltpu.async_copy(rows_hbm.at[sid, j], ridx, semi)
            pltpu.async_copy(lcol_hbm.at[cid, sid, j], cidx, semi)

        def idx_wait(j, ridx, cidx, semi):
            pltpu.make_async_copy(rows_hbm.at[sid, j], ridx, semi).wait()
            pltpu.make_async_copy(lcol_hbm.at[cid, sid, j], cidx, semi).wait()

        pltpu.sync_copy(rows_hbm.at[sid, 0], ridxa)
        pltpu.sync_copy(lcol_hbm.at[cid, sid, 0], cidxa)
        pltpu.async_copy(u_hbm.at[ridxa], gbufa, sema)
        idx_issue(1, ridxb, cidxb, semib)

        def pipe(jj, _):
            j1 = 2 * jj + 1
            j2 = 2 * jj + 2
            j3 = 2 * jj + 3
            idx_wait(j1, ridxb, cidxb, semib)
            pltpu.async_copy(u_hbm.at[ridxb], gbufb, semb)
            pltpu.make_async_copy(u_hbm.at[ridxa], gbufa, sema).wait()
            pltpu.sync_copy(gbufa, acc.at[cidxa], add=True)

            @pl.when(j2 < NCHP)
            def _():
                idx_issue(j2, ridxa, cidxa, semia)
                idx_wait(j2, ridxa, cidxa, semia)
                pltpu.async_copy(u_hbm.at[ridxa], gbufa, sema)

            pltpu.make_async_copy(u_hbm.at[ridxb], gbufb, semb).wait()
            pltpu.sync_copy(gbufb, acc.at[cidxb], add=True)

            @pl.when(j3 < NCHP)
            def _():
                idx_issue(j3, ridxb, cidxb, semib)

            return 0

        lax.fori_loop(0, NCHP // 2, pipe, 0)
        plsc.subcore_barrier()

        for b in range(RPT // C):
            pltpu.sync_copy(acc.at[pl.ds(sid * RPT + b * C, C)], gbufa)
            pltpu.sync_copy(gbufa,
                            y_hbm.at[pl.ds(base + sid * RPT + b * C, C)])

    return hop


@functools.cache
def _make_deg():

    @functools.partial(
        pl.kernel,
        mesh=_mesh(),
        out_type=jax.ShapeDtypeStruct((NC, N_PAD, 16), jnp.float32),
        scratch_types=[
            pltpu.VMEM((C,), jnp.int32),
            pltpu.VMEM((C, 16), jnp.float32),
            pltpu.VMEM_SHARED((N_PAD, 16), jnp.float32),
        ],
    )
    def deg_counts(cols_hbm, out_hbm, cidx, ones, acc):
        cid = lax.axis_index("c")
        sid = lax.axis_index("s")
        rpt = N_PAD // NS

        _zero_fill(ones, 16)
        for b in range(rpt // C):
            pltpu.sync_copy(ones, acc.at[pl.ds(sid * rpt + b * C, C)])

        def fill(i, _):
            ones[i, :] = jnp.ones((16,), jnp.float32)
            return 0

        lax.fori_loop(0, C, fill, 0)
        plsc.subcore_barrier()

        def chunk(j, _):
            pltpu.sync_copy(cols_hbm.at[sid, j], cidx)
            pltpu.sync_copy(ones, acc.at[cidx], add=True)
            return 0

        lax.fori_loop(0, NCHP, chunk, 0)
        plsc.subcore_barrier()

        for b in range(rpt // C):
            pltpu.sync_copy(acc.at[pl.ds(sid * rpt + b * C, C)],
                            out_hbm.at[cid, pl.ds(sid * rpt + b * C, C)])

    return deg_counts



_ER = E // 128
_EB = 2500


def _locidx_body(c_ref, o0_ref, o1_ref):
    c = c_ref[...]
    t = HALF + (c & 7)
    o0_ref[...] = jnp.where(c < HALF, c, t)
    o1_ref[...] = jnp.where(c >= HALF, c - HALF, t)


def _locidx(cols2d):
    return pl.pallas_call(
        _locidx_body,
        grid=(_ER // _EB,),
        in_specs=[pl.BlockSpec((_EB, 128), lambda i: (i, 0))],
        out_specs=[pl.BlockSpec((_EB, 128), lambda i: (i, 0)),
                   pl.BlockSpec((_EB, 128), lambda i: (i, 0))],
        out_shape=[jax.ShapeDtypeStruct((_ER, 128), jnp.int32),
                   jax.ShapeDtypeStruct((_ER, 128), jnp.int32)],
    )(cols2d)



_RB = 1000
_GRID = N // _RB


def _row_spec(d):
    return pl.BlockSpec((_RB, d), lambda i: (i, 0))


def _full_spec(shape):
    return pl.BlockSpec(shape, lambda i: (0,) * len(shape))


def _prep_body(x_ref, w_ref, c0_ref, u_ref, dis_ref, dis2_ref):
    deg = c0_ref[...] + 1.0
    dis = lax.rsqrt(deg)
    z = jnp.dot(x_ref[...], w_ref[...], preferred_element_type=jnp.float32)
    u_ref[...] = dis * z
    dis_ref[...] = dis
    dis2_ref[...] = dis * dis


def _prep(x, W1, c0):
    return pl.pallas_call(
        _prep_body,
        grid=(_GRID,),
        in_specs=[_row_spec(D_IN), _full_spec((D_IN, NHID)), _row_spec(1)],
        out_specs=[_row_spec(NHID), _row_spec(1), _row_spec(1)],
        out_shape=[jax.ShapeDtypeStruct((N, NHID), jnp.float32),
                   jax.ShapeDtypeStruct((N, 1), jnp.float32),
                   jax.ShapeDtypeStruct((N, 1), jnp.float32)],
    )(x, W1, c0)


def _combine_body(y_ref, u_ref, dis_ref, dis2_ref, b_ref, w_ref, f_ref,
                  o_ref):
    t = y_ref[...] + u_ref[...]
    s1 = jnp.where(f_ref[0, 0] > 0.0, dis2_ref[...] * t,
                   dis_ref[...] * t + b_ref[...])
    h = jnp.where(f_ref[0, 1] > 0.0, jax.nn.relu(s1), s1)
    z = dis_ref[...] * jnp.dot(h, w_ref[...],
                               preferred_element_type=jnp.float32)
    o_ref[...] = jnp.where(f_ref[0, 2] > 0.0, z, h)


def _combine(y, u, dis, dis2, b, W, f):
    return pl.pallas_call(
        _combine_body,
        grid=(_GRID,),
        in_specs=[_row_spec(NHID), _row_spec(NHID), _row_spec(1),
                  _row_spec(1), _full_spec((1, NHID)),
                  _full_spec((NHID, NHID)), _full_spec((1, 4))],
        out_specs=_row_spec(NHID),
        out_shape=jax.ShapeDtypeStruct((N, NHID), jnp.float32),
    )(y[:N], u, dis, dis2, b.reshape(1, NHID), W, f.reshape(1, 4))


def _final_body(t_ref, o_ref):
    t = t_ref[...]
    m = jnp.max(t, axis=1, keepdims=True)
    s = jnp.log(jnp.sum(jnp.exp(t - m), axis=1, keepdims=True))
    o_ref[...] = t - m - s


def _final(t):
    return pl.pallas_call(
        _final_body,
        grid=(_GRID,),
        in_specs=[_row_spec(D_OUT)],
        out_specs=_row_spec(D_OUT),
        out_shape=jax.ShapeDtypeStruct((N, D_OUT), jnp.float32),
    )(t)


def kernel(x, edge_index, W1, b1, Wm, bm, W2, b2):
    ei = edge_index.astype(jnp.int32)
    rows = ei[0].reshape(NS, NCHP, C)
    cols = ei[1].reshape(NS, NCHP, C)
    l0, l1 = _locidx(ei[1].reshape(_ER, 128))
    lcol = jnp.stack([l0.reshape(NS, NCHP, C), l1.reshape(NS, NCHP, C)])

    hop = _make_hop()

    counts = _make_deg()(cols)
    c0 = counts[0, :N, :1]

    u0, dis, dis2 = _prep(x, W1, c0)

    zW = jnp.zeros((NHID, NHID), jnp.float32)
    W2p = zW.at[:, :D_OUT].set(W2)
    b2p = jnp.zeros((NHID,), jnp.float32).at[:D_OUT].set(b2)
    zb = jnp.zeros((NHID,), jnp.float32)
    Ws = jnp.stack([zW, Wm, zW, W2p, zW, zW])
    bs = jnp.stack([zb, b1, zb, bm, zb, b2p])
    fs = jnp.array([[1.0, 0.0, 0.0, 0.0],
                    [0.0, 1.0, 1.0, 0.0],
                    [1.0, 0.0, 0.0, 0.0],
                    [0.0, 1.0, 1.0, 0.0],
                    [1.0, 0.0, 0.0, 0.0],
                    [0.0, 0.0, 0.0, 0.0]], jnp.float32)

    def stage(u, wbf):
        W, b, f = wbf
        y = hop(u, rows, lcol)
        return _combine(y, u, dis, dis2, b, W, f), None

    t, _ = lax.scan(stage, u0, (Ws, bs, fs))
    return _final(t[:, :D_OUT])

# --- scband reference (transcript-rebuilt; emitter-appended) ---
"""Pipeline reference for scband-sgcnet-x-22694607192489 (READ-ONLY COPY).

The authoritative reference and input builder live on the scoring server;
editing this copy changes nothing except your own understanding.
"""

import jax, jax.numpy as jnp
import numpy as np

N_NODES = 10000
N_EDGES = 320000
D_IN = 128
NHID = 128
D_OUT = 64
K_HOPS = 2


def setup_inputs(seed: int = 0) -> dict:
    key = jax.random.key(seed)
    ks = jax.random.split(key, 8)
    x = jax.random.normal(ks[0], (N_NODES, D_IN), dtype=jnp.float32)
    edge_index = jax.random.randint(ks[1], (2, N_EDGES), 0, N_NODES)
    def w(k, shape):
        return jax.random.normal(k, shape, dtype=jnp.float32) * 0.05
    W1 = w(ks[2], (D_IN, NHID))
    b1 = jnp.zeros((NHID,), dtype=jnp.float32)
    Wm = w(ks[3], (NHID, NHID))
    bm = jnp.zeros((NHID,), dtype=jnp.float32)
    W2 = w(ks[4], (NHID, D_OUT))
    b2 = jnp.zeros((D_OUT,), dtype=jnp.float32)
    return {"x": x, "edge_index": edge_index, "W1": W1, "b1": b1, "Wm": Wm, "bm": bm, "W2": W2, "b2": b2}


def _gcn_norm(edge_index, num_nodes):
    # add self loops, symmetric normalization D^{-1/2} (A + I) D^{-1/2}
    loop = jnp.arange(num_nodes)
    row = jnp.concatenate([edge_index[0], loop])
    col = jnp.concatenate([edge_index[1], loop])
    ew = jnp.ones(row.shape[0], dtype=jnp.float32)
    deg = jax.ops.segment_sum(ew, col, num_segments=num_nodes)
    dis = jnp.where(deg > 0, 1.0 / jnp.sqrt(deg), 0.0)
    norm = dis[row] * ew * dis[col]
    return row, col, norm


def _sgconv(x, row, col, norm, W, b, num_nodes):
    # propagate K times then linear (PyG SGConv)
    for _ in range(K_HOPS):
        msg = norm[:, None] * x[row]
        x = jax.ops.segment_sum(msg, col, num_segments=num_nodes)
    return x @ W + b


def reference(x, edge_index, W1, b1, Wm, bm, W2, b2):
    n = x.shape[0]
    row, col, norm = _gcn_norm(edge_index, n)
    h = jax.nn.relu(_sgconv(x, row, col, norm, W1, b1, n))
    # layer=3 -> one middle SGConv (dropout is identity in eval mode)
    h = jax.nn.relu(_sgconv(h, row, col, norm, Wm, bm, n))
    h = _sgconv(h, row, col, norm, W2, b2, n)
    return jax.nn.log_softmax(h, axis=1)

if __name__ == "__main__":
    import jax
    _d = setup_inputs()
    print(jax.jit(kernel)(*tuple(_d.values())))

</pallas_src>

<mosaic_0001>
#map = affine_map<(d0, d1) -> (0, 0, 0)>
module attributes {stable_mosaic.version = 14 : i64} {
  func.func @deg_counts(%arg0: i32, %arg1: i32, %arg2: memref<16x250x80xi32, #tpu.memory_space<hbm>>, %arg3: memref<2x10240x16xf32, #tpu.memory_space<hbm>>, %arg4: memref<80xi32, #tpu.memory_space<vmem>>, %arg5: memref<80x16xf32, #tpu.memory_space<vmem>>, %arg6: memref<10240x16xf32, #tpu.memory_space<vmem_shared>>) attributes {dimension_semantics = [#tpu.dimension_semantics<core_parallel>, #tpu.dimension_semantics<subcore_parallel>], iteration_bounds = array<i64: 2, 16>, scalar_prefetch = 0 : i64, scratch_operands = 3 : i64, tpu.core_type = #tpu.core_type<sc_vector_subcore>, window_params = [{transform_indices = #map}, {transform_indices = #map}]} {
    %scan3A = arith.constant 0 : i32
    %scan3A_0 = arith.constant 0 : i32
    %scan3A_1 = arith.constant 80 : i32
    %scan3A_2 = arith.addi %scan3A_0, %scan3A_1 : i32
    %scan3A_3 = arith.constant 1 : i32
    %scan3A_4 = scf.for %scan3A_115 = %scan3A_0 to %scan3A_2 step %scan3A_3 iter_args(%scan3A_116 = %scan3A) -> (i32)  : i32 {
      %jit3A = arith.constant 1 : i32
      %div3A = arith.divsi %scan3A_115, %jit3A : i32
      %sign3A = arith.constant 0 : i32
      %sign3A_117 = arith.cmpi sgt, %scan3A_115, %sign3A : i32
      %sign3A_118 = arith.extui %sign3A_117 : i1 to i32
      %sign3A_119 = arith.constant 0 : i32
      %sign3A_120 = arith.cmpi slt, %scan3A_115, %sign3A_119 : i32
      %sign3A_121 = arith.extui %sign3A_120 : i1 to i32
      %sign3A_122 = arith.subi %sign3A_118, %sign3A_121 : i32
      %sign3A_123 = arith.constant 0 : i32
      %sign3A_124 = arith.cmpi sgt, %jit3A, %sign3A_123 : i32
      %sign3A_125 = arith.extui %sign3A_124 : i1 to i32
      %sign3A_126 = arith.constant 0 : i32
      %sign3A_127 = arith.cmpi slt, %jit3A, %sign3A_126 : i32
      %sign3A_128 = arith.extui %sign3A_127 : i1 to i32
      %sign3A_129 = arith.subi %sign3A_125, %sign3A_128 : i32
      %ne3A = arith.cmpi ne, %sign3A_122, %sign3A_129 : i32
      %rem3A = arith.remsi %scan3A_115, %jit3A : i32
      %ne3A_130 = arith.constant 0 : i32
      %ne3A_131 = arith.cmpi ne, %rem3A, %ne3A_130 : i32
      %and3A = arith.andi %ne3A, %ne3A_131 : i1
      %sub3A = arith.constant 1 : i32
      %sub3A_132 = arith.subi %div3A, %sub3A : i32
      %select_n3A = arith.select %and3A, %sub3A_132, %div3A : i32
      %jit3A_133 = arith.constant 1 : i32
      %eq3A = arith.constant 0 : i32
      %eq3A_134 = arith.cmpi eq, %jit3A_133, %eq3A : i32
      %jit3A_135 = arith.constant 1 : i32
      %select_n3A_136 = arith.select %eq3A_134, %jit3A_135, %jit3A_133 : i32
      %rem3A_137 = arith.remsi %scan3A_115, %select_n3A_136 : i32
      %ne3A_138 = arith.constant 0 : i32
      %ne3A_139 = arith.cmpi ne, %rem3A_137, %ne3A_138 : i32
      %lt3A = arith.constant 0 : i32
      %lt3A_140 = arith.cmpi slt, %rem3A_137, %lt3A : i32
      %lt3A_141 = arith.constant 0 : i32
      %lt3A_142 = arith.cmpi slt, %select_n3A_136, %lt3A_141 : i32
      %ne3A_143 = arith.xori %lt3A_140, %lt3A_142 : i1
      %and3A_144 = arith.andi %ne3A_143, %ne3A_139 : i1
      %add3A_145 = arith.addi %rem3A_137, %select_n3A_136 : i32
      %select_n3A_146 = arith.select %and3A_144, %add3A_145, %rem3A_137 : i32
      %broadcast_in_dim3A = arith.constant 0.000000e+00 : f32
      %broadcast_in_dim3A_147 = vector.broadcast %broadcast_in_dim3A : f32 to vector<16xf32>
      %mul3A_148 = arith.constant 16 : i32
      %mul3A_149 = arith.muli %select_n3A_146, %mul3A_148 : i32
      %swap3A = arith.index_cast %select_n3A : i32 to index
      %swap3A_150 = arith.index_cast %mul3A_149 : i32 to index
      %swap3A_151 = tpu.vector_load %arg5[%swap3A, %swap3A_150] {strides = array<i32>} : memref<80x16xf32, #tpu.memory_space<vmem>>, vector<1x16xf32>,
      %swap3A_152 = vector.shape_cast %swap3A_151 : vector<1x16xf32> to vector<16xf32>
      %swap3A_153 = vector.shape_cast %broadcast_in_dim3A_147 : vector<16xf32> to vector<1x16xf32>
      tpu.vector_store %arg5[%swap3A, %swap3A_150], %swap3A_153 {strides = array<i32>} : memref<80x16xf32, #tpu.memory_space<vmem>>, vector<1x16xf32>,
      %scan3A_154 = arith.constant 0 : i32
      scf.yield %scan3A_154 : i32
    }
    %scan3A_5 = arith.constant 80 : i32
    %mul3A = arith.constant 640 : i32
    %mul3A_6 = arith.muli %arg1, %mul3A : i32
    %add3A = arith.constant 0 : i32
    %add3A_7 = arith.addi %mul3A_6, %add3A : i32
    "tpu.region"() ({
      %run_scoped3A = tpu.sem_alloc : memref<!tpu.dma_semaphore, #tpu.memory_space<semaphore_mem>>
      %dma_start3A = arith.constant 0 : i32
      %dma_start3A_115 = tpu.memref_slice %arg6[%add3A_7, %dma_start3A] : memref<10240x16xf32, #tpu.memory_space<vmem_shared>> -> memref<80x16xf32, #tpu.memory_space<vmem_shared>>
      %dma_start3A_116 = arith.constant 0 : i32
      %dma_start3A_117 = tpu.memref_slice %arg6[%add3A_7, %dma_start3A_116] : memref<10240x16xf32, #tpu.memory_space<vmem_shared>> -> memref<80x16xf32, #tpu.memory_space<vmem_shared>>
      tpu.enqueue_dma source(%arg5 : memref<80x16xf32, #tpu.memory_space<vmem>>) target(%dma_start3A_117 : memref<80x16xf32, #tpu.memory_space<vmem_shared>>) target_semaphore(%run_scoped3A : memref<!tpu.dma_semaphore, #tpu.memory_space<semaphore_mem>>)
      %dma_wait3A = arith.constant 0 : i32
      %dma_wait3A_118 = tpu.memref_slice %arg6[%add3A_7, %dma_wait3A] : memref<10240x16xf32, #tpu.memory_space<vmem_shared>> -> memref<80x16xf32, #tpu.memory_space<vmem_shared>>
      %dma_wait3A_119 = arith.constant 0 : i32
      %dma_wait3A_120 = tpu.memref_slice %arg6[%add3A_7, %dma_wait3A_119] : memref<10240x16xf32, #tpu.memory_space<vmem_shared>> -> memref<80x16xf32, #tpu.memory_space<vmem_shared>>
      tpu.wait_dma2 semaphore(%run_scoped3A : memref<!tpu.dma_semaphore, #tpu.memory_space<semaphore_mem>>) src(%arg5 : memref<80x16xf32, #tpu.memory_space<vmem>>) dst(%dma_wait3A_120 : memref<80x16xf32, #tpu.memory_space<vmem_shared>>)
      tpu.yield
    }) : () -> ()
    %mul3A_8 = arith.constant 640 : i32
    %mul3A_9 = arith.muli %arg1, %mul3A_8 : i32
    %add3A_10 = arith.constant 80 : i32
    %add3A_11 = arith.addi %mul3A_9, %add3A_10 : i32
    "tpu.region"() ({
      %run_scoped3A = tpu.sem_alloc : memref<!tpu.dma_semaphore, #tpu.memory_space<semaphore_mem>>
      %dma_start3A = arith.constant 0 : i32
      %dma_start3A_115 = tpu.memref_slice %arg6[%add3A_11, %dma_start3A] : memref<10240x16xf32, #tpu.memory_space<vmem_shared>> -> memref<80x16xf32, #tpu.memory_space<vmem_shared>>
      %dma_start3A_116 = arith.constant 0 : i32
      %dma_start3A_117 = tpu.memref_slice %arg6[%add3A_11, %dma_start3A_116] : memref<10240x16xf32, #tpu.memory_space<vmem_shared>> -> memref<80x16xf32, #tpu.memory_space<vmem_shared>>
      tpu.enqueue_dma source(%arg5 : memref<80x16xf32, #tpu.memory_space<vmem>>) target(%dma_start3A_117 : memref<80x16xf32, #tpu.memory_space<vmem_shared>>) target_semaphore(%run_scoped3A : memref<!tpu.dma_semaphore, #tpu.memory_space<semaphore_mem>>)
      %dma_wait3A = arith.constant 0 : i32
      %dma_wait3A_118 = tpu.memref_slice %arg6[%add3A_11, %dma_wait3A] : memref<10240x16xf32, #tpu.memory_space<vmem_shared>> -> memref<80x16xf32, #tpu.memory_space<vmem_shared>>
      %dma_wait3A_119 = arith.constant 0 : i32
      %dma_wait3A_120 = tpu.memref_slice %arg6[%add3A_11, %dma_wait3A_119] : memref<10240x16xf32, #tpu.memory_space<vmem_shared>> -> memref<80x16xf32, #tpu.memory_space<vmem_shared>>
      tpu.wait_dma2 semaphore(%run_scoped3A : memref<!tpu.dma_semaphore, #tpu.memory_space<semaphore_mem>>) src(%arg5 : memref<80x16xf32, #tpu.memory_space<vmem>>) dst(%dma_wait3A_120 : memref<80x16xf32, #tpu.memory_space<vmem_shared>>)
      tpu.yield
    }) : () -> ()
    %mul3A_12 = arith.constant 640 : i32
    %mul3A_13 = arith.muli %arg1, %mul3A_12 : i32
    %add3A_14 = arith.constant 160 : i32
    %add3A_15 = arith.addi %mul3A_13, %add3A_14 : i32
    "tpu.region"() ({
      %run_scoped3A = tpu.sem_alloc : memref<!tpu.dma_semaphore, #tpu.memory_space<semaphore_mem>>
      %dma_start3A = arith.constant 0 : i32
      %dma_start3A_115 = tpu.memref_slice %arg6[%add3A_15, %dma_start3A] : memref<10240x16xf32, #tpu.memory_space<vmem_shared>> -> memref<80x16xf32, #tpu.memory_space<vmem_shared>>
      %dma_start3A_116 = arith.constant 0 : i32
      %dma_start3A_117 = tpu.memref_slice %arg6[%add3A_15, %dma_start3A_116] : memref<10240x16xf32, #tpu.memory_space<vmem_shared>> -> memref<80x16xf32, #tpu.memory_space<vmem_shared>>
      tpu.enqueue_dma source(%arg5 : memref<80x16xf32, #tpu.memory_space<vmem>>) target(%dma_start3A_117 : memref<80x16xf32, #tpu.memory_space<vmem_shared>>) target_semaphore(%run_scoped3A : memref<!tpu.dma_semaphore, #tpu.memory_space<semaphore_mem>>)
      %dma_wait3A = arith.constant 0 : i32
      %dma_wait3A_118 = tpu.memref_slice %arg6[%add3A_15, %dma_wait3A] : memref<10240x16xf32, #tpu.memory_space<vmem_shared>> -> memref<80x16xf32, #tpu.memory_space<vmem_shared>>
      %dma_wait3A_119 = arith.constant 0 : i32
      %dma_wait3A_120 = tpu.memref_slice %arg6[%add3A_15, %dma_wait3A_119] : memref<10240x16xf32, #tpu.memory_space<vmem_shared>> -> memref<80x16xf32, #tpu.memory_space<vmem_shared>>
      tpu.wait_dma2 semaphore(%run_scoped3A : memref<!tpu.dma_semaphore, #tpu.memory_space<semaphore_mem>>) src(%arg5 : memref<80x16xf32, #tpu.memory_space<vmem>>) dst(%dma_wait3A_120 : memref<80x16xf32, #tpu.memory_space<vmem_shared>>)
      tpu.yield
    }) : () -> ()
    %mul3A_16 = arith.constant 640 : i32
    %mul3A_17 = arith.muli %arg1, %mul3A_16 : i32
    %add3A_18 = arith.constant 240 : i32
    %add3A_19 = arith.addi %mul3A_17, %add3A_18 : i32
    "tpu.region"() ({
      %run_scoped3A = tpu.sem_alloc : memref<!tpu.dma_semaphore, #tpu.memory_space<semaphore_mem>>
      %dma_start3A = arith.constant 0 : i32
      %dma_start3A_115 = tpu.memref_slice %arg6[%add3A_19, %dma_start3A] : memref<10240x16xf32, #tpu.memory_space<vmem_shared>> -> memref<80x16xf32, #tpu.memory_space<vmem_shared>>
      %dma_start3A_116 = arith.constant 0 : i32
      %dma_start3A_117 = tpu.memref_slice %arg6[%add3A_19, %dma_start3A_116] : memref<10240x16xf32, #tpu.memory_space<vmem_shared>> -> memref<80x16xf32, #tpu.memory_space<vmem_shared>>
      tpu.enqueue_dma source(%arg5 : memref<80x16xf32, #tpu.memory_space<vmem>>) target(%dma_start3A_117 : memref<80x16xf32, #tpu.memory_space<vmem_shared>>) target_semaphore(%run_scoped3A : memref<!tpu.dma_semaphore, #tpu.memory_space<semaphore_mem>>)
      %dma_wait3A = arith.constant 0 : i32
      %dma_wait3A_118 = tpu.memref_slice %arg6[%add3A_19, %dma_wait3A] : memref<10240x16xf32, #tpu.memory_space<vmem_shared>> -> memref<80x16xf32, #tpu.memory_space<vmem_shared>>
      %dma_wait3A_119 = arith.constant 0 : i32
      %dma_wait3A_120 = tpu.memref_slice %arg6[%add3A_19, %dma_wait3A_119] : memref<10240x16xf32, #tpu.memory_space<vmem_shared>> -> memref<80x16xf32, #tpu.memory_space<vmem_shared>>
      tpu.wait_dma2 semaphore(%run_scoped3A : memref<!tpu.dma_semaphore, #tpu.memory_space<semaphore_mem>>) src(%arg5 : memref<80x16xf32, #tpu.memory_space<vmem>>) dst(%dma_wait3A_120 : memref<80x16xf32, #tpu.memory_space<vmem_shared>>)
      tpu.yield
    }) : () -> ()
    %mul3A_20 = arith.constant 640 : i32
    %mul3A_21 = arith.muli %arg1, %mul3A_20 : i32
    %add3A_22 = arith.constant 320 : i32
    %add3A_23 = arith.addi %mul3A_21, %add3A_22 : i32
    "tpu.region"() ({
      %run_scoped3A = tpu.sem_alloc : memref<!tpu.dma_semaphore, #tpu.memory_space<semaphore_mem>>
      %dma_start3A = arith.constant 0 : i32
      %dma_start3A_115 = tpu.memref_slice %arg6[%add3A_23, %dma_start3A] : memref<10240x16xf32, #tpu.memory_space<vmem_shared>> -> memref<80x16xf32, #tpu.memory_space<vmem_shared>>
      %dma_start3A_116 = arith.constant 0 : i32
      %dma_start3A_117 = tpu.memref_slice %arg6[%add3A_23, %dma_start3A_116] : memref<10240x16xf32, #tpu.memory_space<vmem_shared>> -> memref<80x16xf32, #tpu.memory_space<vmem_shared>>
      tpu.enqueue_dma source(%arg5 : memref<80x16xf32, #tpu.memory_space<vmem>>) target(%dma_start3A_117 : memref<80x16xf32, #tpu.memory_space<vmem_shared>>) target_semaphore(%run_scoped3A : memref<!tpu.dma_semaphore, #tpu.memory_space<semaphore_mem>>)
      %dma_wait3A = arith.constant 0 : i32
      %dma_wait3A_118 = tpu.memref_slice %arg6[%add3A_23, %dma_wait3A] : memref<10240x16xf32, #tpu.memory_space<vmem_shared>> -> memref<80x16xf32, #tpu.memory_space<vmem_shared>>
      %dma_wait3A_119 = arith.constant 0 : i32
      %dma_wait3A_120 = tpu.memref_slice %arg6[%add3A_23, %dma_wait3A_119] : memref<10240x16xf32, #tpu.memory_space<vmem_shared>> -> memref<80x16xf32, #tpu.memory_space<vmem_shared>>
      tpu.wait_dma2 semaphore(%run_scoped3A : memref<!tpu.dma_semaphore, #tpu.memory_space<semaphore_mem>>) src(%arg5 : memref<80x16xf32, #tpu.memory_space<vmem>>) dst(%dma_wait3A_120 : memref<80x16xf32, #tpu.memory_space<vmem_shared>>)
      tpu.yield
    }) : () -> ()
    %mul3A_24 = arith.constant 640 : i32
    %mul3A_25 = arith.muli %arg1, %mul3A_24 : i32
    %add3A_26 = arith.constant 400 : i32
    %add3A_27 = arith.addi %mul3A_25, %add3A_26 : i32
    "tpu.region"() ({
      %run_scoped3A = tpu.sem_alloc : memref<!tpu.dma_semaphore, #tpu.memory_space<semaphore_mem>>
      %dma_start3A = arith.constant 0 : i32
      %dma_start3A_115 = tpu.memref_slice %arg6[%add3A_27, %dma_start3A] : memref<10240x16xf32, #tpu.memory_space<vmem_shared>> -> memref<80x16xf32, #tpu.memory_space<vmem_shared>>
      %dma_start3A_116 = arith.constant 0 : i32
      %dma_start3A_117 = tpu.memref_slice %arg6[%add3A_27, %dma_start3A_116] : memref<10240x16xf32, #tpu.memory_space<vmem_shared>> -> memref<80x16xf32, #tpu.memory_space<vmem_shared>>
      tpu.enqueue_dma source(%arg5 : memref<80x16xf32, #tpu.memory_space<vmem>>) target(%dma_start3A_117 : memref<80x16xf32, #tpu.memory_space<vmem_shared>>) target_semaphore(%run_scoped3A : memref<!tpu.dma_semaphore, #tpu.memory_space<semaphore_mem>>)
      %dma_wait3A = arith.constant 0 : i32
      %dma_wait3A_118 = tpu.memref_slice %arg6[%add3A_27, %dma_wait3A] : memref<10240x16xf32, #tpu.memory_space<vmem_shared>> -> memref<80x16xf32, #tpu.memory_space<vmem_shared>>
      %dma_wait3A_119 = arith.constant 0 : i32
      %dma_wait3A_120 = tpu.memref_slice %arg6[%add3A_27, %dma_wait3A_119] : memref<10240x16xf32, #tpu.memory_space<vmem_shared>> -> memref<80x16xf32, #tpu.memory_space<vmem_shared>>
      tpu.wait_dma2 semaphore(%run_scoped3A : memref<!tpu.dma_semaphore, #tpu.memory_space<semaphore_mem>>) src(%arg5 : memref<80x16xf32, #tpu.memory_space<vmem>>) dst(%dma_wait3A_120 : memref<80x16xf32, #tpu.memory_space<vmem_shared>>)
      tpu.yield
    }) : () -> ()
    %mul3A_28 = arith.constant 640 : i32
    %mul3A_29 = arith.muli %arg1, %mul3A_28 : i32
    %add3A_30 = arith.constant 480 : i32
    %add3A_31 = arith.addi %mul3A_29, %add3A_30 : i32
    "tpu.region"() ({
      %run_scoped3A = tpu.sem_alloc : memref<!tpu.dma_semaphore, #tpu.memory_space<semaphore_mem>>
      %dma_start3A = arith.constant 0 : i32
      %dma_start3A_115 = tpu.memref_slice %arg6[%add3A_31, %dma_start3A] : memref<10240x16xf32, #tpu.memory_space<vmem_shared>> -> memref<80x16xf32, #tpu.memory_space<vmem_shared>>
      %dma_start3A_116 = arith.constant 0 : i32
      %dma_start3A_117 = tpu.memref_slice %arg6[%add3A_31, %dma_start3A_116] : memref<10240x16xf32, #tpu.memory_space<vmem_shared>> -> memref<80x16xf32, #tpu.memory_space<vmem_shared>>
      tpu.enqueue_dma source(%arg5 : memref<80x16xf32, #tpu.memory_space<vmem>>) target(%dma_start3A_117 : memref<80x16xf32, #tpu.memory_space<vmem_shared>>) target_semaphore(%run_scoped3A : memref<!tpu.dma_semaphore, #tpu.memory_space<semaphore_mem>>)
      %dma_wait3A = arith.constant 0 : i32
      %dma_wait3A_118 = tpu.memref_slice %arg6[%add3A_31, %dma_wait3A] : memref<10240x16xf32, #tpu.memory_space<vmem_shared>> -> memref<80x16xf32, #tpu.memory_space<vmem_shared>>
      %dma_wait3A_119 = arith.constant 0 : i32
      %dma_wait3A_120 = tpu.memref_slice %arg6[%add3A_31, %dma_wait3A_119] : memref<10240x16xf32, #tpu.memory_space<vmem_shared>> -> memref<80x16xf32, #tpu.memory_space<vmem_shared>>
      tpu.wait_dma2 semaphore(%run_scoped3A : memref<!tpu.dma_semaphore, #tpu.memory_space<semaphore_mem>>) src(%arg5 : memref<80x16xf32, #tpu.memory_space<vmem>>) dst(%dma_wait3A_120 : memref<80x16xf32, #tpu.memory_space<vmem_shared>>)
      tpu.yield
    }) : () -> ()
    %mul3A_32 = arith.constant 640 : i32
    %mul3A_33 = arith.muli %arg1, %mul3A_32 : i32
    %add3A_34 = arith.constant 560 : i32
    %add3A_35 = arith.addi %mul3A_33, %add3A_34 : i32
    "tpu.region"() ({
      %run_scoped3A = tpu.sem_alloc : memref<!tpu.dma_semaphore, #tpu.memory_space<semaphore_mem>>
      %dma_start3A = arith.constant 0 : i32
      %dma_start3A_115 = tpu.memref_slice %arg6[%add3A_35, %dma_start3A] : memref<10240x16xf32, #tpu.memory_space<vmem_shared>> -> memref<80x16xf32, #tpu.memory_space<vmem_shared>>
      %dma_start3A_116 = arith.constant 0 : i32
      %dma_start3A_117 = tpu.memref_slice %arg6[%add3A_35, %dma_start3A_116] : memref<10240x16xf32, #tpu.memory_space<vmem_shared>> -> memref<80x16xf32, #tpu.memory_space<vmem_shared>>
      tpu.enqueue_dma source(%arg5 : memref<80x16xf32, #tpu.memory_space<vmem>>) target(%dma_start3A_117 : memref<80x16xf32, #tpu.memory_space<vmem_shared>>) target_semaphore(%run_scoped3A : memref<!tpu.dma_semaphore, #tpu.memory_space<semaphore_mem>>)
      %dma_wait3A = arith.constant 0 : i32
      %dma_wait3A_118 = tpu.memref_slice %arg6[%add3A_35, %dma_wait3A] : memref<10240x16xf32, #tpu.memory_space<vmem_shared>> -> memref<80x16xf32, #tpu.memory_space<vmem_shared>>
      %dma_wait3A_119 = arith.constant 0 : i32
      %dma_wait3A_120 = tpu.memref_slice %arg6[%add3A_35, %dma_wait3A_119] : memref<10240x16xf32, #tpu.memory_space<vmem_shared>> -> memref<80x16xf32, #tpu.memory_space<vmem_shared>>
      tpu.wait_dma2 semaphore(%run_scoped3A : memref<!tpu.dma_semaphore, #tpu.memory_space<semaphore_mem>>) src(%arg5 : memref<80x16xf32, #tpu.memory_space<vmem>>) dst(%dma_wait3A_120 : memref<80x16xf32, #tpu.memory_space<vmem_shared>>)
      tpu.yield
    }) : () -> ()
    %scan3A_36 = arith.constant 0 : i32
    %scan3A_37 = arith.constant 0 : i32
    %scan3A_38 = arith.constant 80 : i32
    %scan3A_39 = arith.addi %scan3A_37, %scan3A_38 : i32
    %scan3A_40 = arith.constant 1 : i32
    %scan3A_41 = scf.for %scan3A_115 = %scan3A_37 to %scan3A_39 step %scan3A_40 iter_args(%scan3A_116 = %scan3A_36) -> (i32)  : i32 {
      %broadcast_in_dim3A = arith.constant 1.000000e+00 : f32
      %broadcast_in_dim3A_117 = vector.broadcast %broadcast_in_dim3A : f32 to vector<16xf32>
      %swap3A = arith.index_cast %scan3A_115 : i32 to index
      %swap3A_118 = arith.constant 0 : index
      %swap3A_119 = tpu.vector_load %arg5[%swap3A, %swap3A_118] {strides = array<i32>} : memref<80x16xf32, #tpu.memory_space<vmem>>, vector<1x16xf32>,
      %swap3A_120 = vector.shape_cast %swap3A_119 : vector<1x16xf32> to vector<16xf32>
      %swap3A_121 = vector.shape_cast %broadcast_in_dim3A_117 : vector<16xf32> to vector<1x16xf32>
      tpu.vector_store %arg5[%swap3A, %swap3A_118], %swap3A_121 {strides = array<i32>} : memref<80x16xf32, #tpu.memory_space<vmem>>, vector<1x16xf32>,
      %scan3A_122 = arith.constant 0 : i32
      scf.yield %scan3A_122 : i32
    }
    %scan3A_42 = arith.constant 80 : i32
    %barrier3A = arith.constant 0 : index
    tpu.barrier barrier_id(%barrier3A)
    %scan3A_43 = arith.constant 0 : i32
    %scan3A_44 = arith.constant 0 : i32
    %scan3A_45 = arith.constant 250 : i32
    %scan3A_46 = arith.addi %scan3A_44, %scan3A_45 : i32
    %scan3A_47 = arith.constant 1 : i32
    %scan3A_48 = scf.for %scan3A_115 = %scan3A_44 to %scan3A_46 step %scan3A_47 iter_args(%scan3A_116 = %scan3A_43) -> (i32)  : i32 {
      "tpu.region"() ({
        %run_scoped3A = tpu.sem_alloc : memref<!tpu.dma_semaphore, #tpu.memory_space<semaphore_mem>>
        %dma_start3A = arith.constant 0 : i32
        %dma_start3A_118 = tpu.memref_slice %arg2[%arg1, %scan3A_115, %dma_start3A] : memref<16x250x80xi32, #tpu.memory_space<hbm>> -> memref<1x1x80xi32, #tpu.memory_space<hbm>>
        %dma_start3A_119 = tpu.memref_squeeze %dma_start3A_118 : memref<1x1x80xi32, #tpu.memory_space<hbm>> -> memref<80xi32, #tpu.memory_space<hbm>>
        %dma_start3A_120 = arith.constant 0 : i32
        %dma_start3A_121 = tpu.memref_slice %arg2[%arg1, %scan3A_115, %dma_start3A_120] : memref<16x250x80xi32, #tpu.memory_space<hbm>> -> memref<1x1x80xi32, #tpu.memory_space<hbm>>
        %dma_start3A_122 = tpu.memref_squeeze %dma_start3A_121 : memref<1x1x80xi32, #tpu.memory_space<hbm>> -> memref<80xi32, #tpu.memory_space<hbm>>
        tpu.enqueue_dma source(%dma_start3A_122 : memref<80xi32, #tpu.memory_space<hbm>>) target(%arg4 : memref<80xi32, #tpu.memory_space<vmem>>) target_semaphore(%run_scoped3A : memref<!tpu.dma_semaphore, #tpu.memory_space<semaphore_mem>>)
        %dma_wait3A = arith.constant 0 : i32
        %dma_wait3A_123 = tpu.memref_slice %arg2[%arg1, %scan3A_115, %dma_wait3A] : memref<16x250x80xi32, #tpu.memory_space<hbm>> -> memref<1x1x80xi32, #tpu.memory_space<hbm>>
        %dma_wait3A_124 = tpu.memref_squeeze %dma_wait3A_123 : memref<1x1x80xi32, #tpu.memory_space<hbm>> -> memref<80xi32, #tpu.memory_space<hbm>>
        %dma_wait3A_125 = arith.constant 0 : i32
        %dma_wait3A_126 = tpu.memref_slice %arg2[%arg1, %scan3A_115, %dma_wait3A_125] : memref<16x250x80xi32, #tpu.memory_space<hbm>> -> memref<1x1x80xi32, #tpu.memory_space<hbm>>
        %dma_wait3A_127 = tpu.memref_squeeze %dma_wait3A_126 : memref<1x1x80xi32, #tpu.memory_space<hbm>> -> memref<80xi32, #tpu.memory_space<hbm>>
        tpu.wait_dma2 semaphore(%run_scoped3A : memref<!tpu.dma_semaphore, #tpu.memory_space<semaphore_mem>>) src(%dma_wait3A_127 : memref<80xi32, #tpu.memory_space<hbm>>) dst(%arg4 : memref<80xi32, #tpu.memory_space<vmem>>)
        tpu.yield
      }) : () -> ()
      "tpu.region"() ({
        %run_scoped3A = tpu.sem_alloc : memref<!tpu.dma_semaphore, #tpu.memory_space<semaphore_mem>>
        %dma_start3A = arith.constant 0 : i32
        %dma_start3A_118 = arith.constant 0 : i32
        %dma_start3A_119 = tpu.memref_slice %arg6[%dma_start3A, %dma_start3A_118] : memref<10240x16xf32, #tpu.memory_space<vmem_shared>> -> memref<10240x16xf32, #tpu.memory_space<vmem_shared>>
        tpu.enqueue_indirect_dma source(%arg5 : memref<80x16xf32, #tpu.memory_space<vmem>>) target(%dma_start3A_119 : memref<10240x16xf32, #tpu.memory_space<vmem_shared>>) offsets(%arg4 : memref<80xi32, #tpu.memory_space<vmem>>) semaphore(%run_scoped3A : memref<!tpu.dma_semaphore, #tpu.memory_space<semaphore_mem>>) {add = true}
        %dma_wait3A = arith.constant 0 : i32
        %dma_wait3A_120 = arith.constant 0 : i32
        %dma_wait3A_121 = tpu.memref_slice %arg6[%dma_wait3A, %dma_wait3A_120] : memref<10240x16xf32, #tpu.memory_space<vmem_shared>> -> memref<10240x16xf32, #tpu.memory_space<vmem_shared>>
        tpu.wait_indirect_dma semaphore(%run_scoped3A : memref<!tpu.dma_semaphore, #tpu.memory_space<semaphore_mem>>) src(%arg5 : memref<80x16xf32, #tpu.memory_space<vmem>>) dst(%dma_wait3A_121 : memref<10240x16xf32, #tpu.memory_space<vmem_shared>>)
        tpu.yield
      }) : () -> ()
      %scan3A_117 = arith.constant 0 : i32
      scf.yield %scan3A_117 : i32
    }
    %scan3A_49 = arith.constant 250 : i32
    %barrier3A_50 = arith.constant 0 : index
    tpu.barrier barrier_id(%barrier3A_50)
    %mul3A_51 = arith.constant 640 : i32
    %mul3A_52 = arith.muli %arg1, %mul3A_51 : i32
    %add3A_53 = arith.constant 0 : i32
    %add3A_54 = arith.addi %mul3A_52, %add3A_53 : i32
    %mul3A_55 = arith.constant 640 : i32
    %mul3A_56 = arith.muli %arg1, %mul3A_55 : i32
    %add3A_57 = arith.constant 0 : i32
    %add3A_58 = arith.addi %mul3A_56, %add3A_57 : i32
    "tpu.region"() ({
      %run_scoped3A = tpu.sem_alloc : memref<!tpu.dma_semaphore, #tpu.memory_space<semaphore_mem>>
      %dma_start3A = arith.constant 0 : i32
      %dma_start3A_115 = tpu.memref_slice %arg3[%arg0, %add3A_58, %dma_start3A] : memref<2x10240x16xf32, #tpu.memory_space<hbm>> -> memref<1x80x16xf32, #tpu.memory_space<hbm>>
      %dma_start3A_116 = tpu.memref_squeeze %dma_start3A_115 : memref<1x80x16xf32, #tpu.memory_space<hbm>> -> memref<80x16xf32, #tpu.memory_space<hbm>>
      %dma_start3A_117 = arith.constant 0 : i32
      %dma_start3A_118 = tpu.memref_slice %arg6[%add3A_54, %dma_start3A_117] : memref<10240x16xf32, #tpu.memory_space<vmem_shared>> -> memref<80x16xf32, #tpu.memory_space<vmem_shared>>
      tpu.enqueue_dma source(%dma_start3A_118 : memref<80x16xf32, #tpu.memory_space<vmem_shared>>) target(%dma_start3A_116 : memref<80x16xf32, #tpu.memory_space<hbm>>) target_semaphore(%run_scoped3A : memref<!tpu.dma_semaphore, #tpu.memory_space<semaphore_mem>>)
      %dma_wait3A = arith.constant 0 : i32
      %dma_wait3A_119 = tpu.memref_slice %arg3[%arg0, %add3A_58, %dma_wait3A] : memref<2x10240x16xf32, #tpu.memory_space<hbm>> -> memref<1x80x16xf32, #tpu.memory_space<hbm>>
      %dma_wait3A_120 = tpu.memref_squeeze %dma_wait3A_119 : memref<1x80x16xf32, #tpu.memory_space<hbm>> -> memref<80x16xf32, #tpu.memory_space<hbm>>
      %dma_wait3A_121 = arith.constant 0 : i32
      %dma_wait3A_122 = tpu.memref_slice %arg6[%add3A_54, %dma_wait3A_121] : memref<10240x16xf32, #tpu.memory_space<vmem_shared>> -> memref<80x16xf32, #tpu.memory_space<vmem_shared>>
      tpu.wait_dma2 semaphore(%run_scoped3A : memref<!tpu.dma_semaphore, #tpu.memory_space<semaphore_mem>>) src(%dma_wait3A_122 : memref<80x16xf32, #tpu.memory_space<vmem_shared>>) dst(%dma_wait3A_120 : memref<80x16xf32, #tpu.memory_space<hbm>>)
      tpu.yield
    }) : () -> ()
    %mul3A_59 = arith.constant 640 : i32
    %mul3A_60 = arith.muli %arg1, %mul3A_59 : i32
    %add3A_61 = arith.constant 80 : i32
    %add3A_62 = arith.addi %mul3A_60, %add3A_61 : i32
    %mul3A_63 = arith.constant 640 : i32
    %mul3A_64 = arith.muli %arg1, %mul3A_63 : i32
    %add3A_65 = arith.constant 80 : i32
    %add3A_66 = arith.addi %mul3A_64, %add3A_65 : i32
    "tpu.region"() ({
      %run_scoped3A = tpu.sem_alloc : memref<!tpu.dma_semaphore, #tpu.memory_space<semaphore_mem>>
      %dma_start3A = arith.constant 0 : i32
      %dma_start3A_115 = tpu.memref_slice %arg3[%arg0, %add3A_66, %dma_start3A] : memref<2x10240x16xf32, #tpu.memory_space<hbm>> -> memref<1x80x16xf32, #tpu.memory_space<hbm>>
      %dma_start3A_116 = tpu.memref_squeeze %dma_start3A_115 : memref<1x80x16xf32, #tpu.memory_space<hbm>> -> memref<80x16xf32, #tpu.memory_space<hbm>>
      %dma_start3A_117 = arith.constant 0 : i32
      %dma_start3A_118 = tpu.memref_slice %arg6[%add3A_62, %dma_start3A_117] : memref<10240x16xf32, #tpu.memory_space<vmem_shared>> -> memref<80x16xf32, #tpu.memory_space<vmem_shared>>
      tpu.enqueue_dma source(%dma_start3A_118 : memref<80x16xf32, #tpu.memory_space<vmem_shared>>) target(%dma_start3A_116 : memref<80x16xf32, #tpu.memory_space<hbm>>) target_semaphore(%run_scoped3A : memref<!tpu.dma_semaphore, #tpu.memory_space<semaphore_mem>>)
      %dma_wait3A = arith.constant 0 : i32
      %dma_wait3A_119 = tpu.memref_slice %arg3[%arg0, %add3A_66, %dma_wait3A] : memref<2x10240x16xf32, #tpu.memory_space<hbm>> -> memref<1x80x16xf32, #tpu.memory_space<hbm>>
      %dma_wait3A_120 = tpu.memref_squeeze %dma_wait3A_119 : memref<1x80x16xf32, #tpu.memory_space<hbm>> -> memref<80x16xf32, #tpu.memory_space<hbm>>
      %dma_wait3A_121 = arith.constant 0 : i32
      %dma_wait3A_122 = tpu.memref_slice %arg6[%add3A_62, %dma_wait3A_121] : memref<10240x16xf32, #tpu.memory_space<vmem_shared>> -> memref<80x16xf32, #tpu.memory_space<vmem_shared>>
      tpu.wait_dma2 semaphore(%run_scoped3A : memref<!tpu.dma_semaphore, #tpu.memory_space<semaphore_mem>>) src(%dma_wait3A_122 : memref<80x16xf32, #tpu.memory_space<vmem_shared>>) dst(%dma_wait3A_120 : memref<80x16xf32, #tpu.memory_space<hbm>>)
      tpu.yield
    }) : () -> ()
    %mul3A_67 = arith.constant 640 : i32
    %mul3A_68 = arith.muli %arg1, %mul3A_67 : i32
    %add3A_69 = arith.constant 160 : i32
    %add3A_70 = arith.addi %mul3A_68, %add3A_69 : i32
    %mul3A_71 = arith.constant 640 : i32
    %mul3A_72 = arith.muli %arg1, %mul3A_71 : i32
    %add3A_73 = arith.constant 160 : i32
    %add3A_74 = arith.addi %mul3A_72, %add3A_73 : i32
    "tpu.region"() ({
      %run_scoped3A = tpu.sem_alloc : memref<!tpu.dma_semaphore, #tpu.memory_space<semaphore_mem>>
      %dma_start3A = arith.constant 0 : i32
      %dma_start3A_115 = tpu.memref_slice %arg3[%arg0, %add3A_74, %dma_start3A] : memref<2x10240x16xf32, #tpu.memory_space<hbm>> -> memref<1x80x16xf32, #tpu.memory_space<hbm>>
      %dma_start3A_116 = tpu.memref_squeeze %dma_start3A_115 : memref<1x80x16xf32, #tpu.memory_space<hbm>> -> memref<80x16xf32, #tpu.memory_space<hbm>>
      %dma_start3A_117 = arith.constant 0 : i32
      %dma_start3A_118 = tpu.memref_slice %arg6[%add3A_70, %dma_start3A_117] : memref<10240x16xf32, #tpu.memory_space<vmem_shared>> -> memref<80x16xf32, #tpu.memory_space<vmem_shared>>
      tpu.enqueue_dma source(%dma_start3A_118 : memref<80x16xf32, #tpu.memory_space<vmem_shared>>) target(%dma_start3A_116 : memref<80x16xf32, #tpu.memory_space<hbm>>) target_semaphore(%run_scoped3A : memref<!tpu.dma_semaphore, #tpu.memory_space<semaphore_mem>>)
      %dma_wait3A = arith.constant 0 : i32
      %dma_wait3A_119 = tpu.memref_slice %arg3[%arg0, %add3A_74, %dma_wait3A] : memref<2x10240x16xf32, #tpu.memory_space<hbm>> -> memref<1x80x16xf32, #tpu.memory_space<hbm>>
      %dma_wait3A_120 = tpu.memref_squeeze %dma_wait3A_119 : memref<1x80x16xf32, #tpu.memory_space<hbm>> -> memref<80x16xf32, #tpu.memory_space<hbm>>
      %dma_wait3A_121 = arith.constant 0 : i32
      %dma_wait3A_122 = tpu.memref_slice %arg6[%add3A_70, %dma_wait3A_121] : memref<10240x16xf32, #tpu.memory_space<vmem_shared>> -> memref<80x16xf32, #tpu.memory_space<vmem_shared>>
      tpu.wait_dma2 semaphore(%run_scoped3A : memref<!tpu.dma_semaphore, #tpu.memory_space<semaphore_mem>>) src(%dma_wait3A_122 : memref<80x16xf32, #tpu.memory_space<vmem_shared>>) dst(%dma_wait3A_120 : memref<80x16xf32, #tpu.memory_space<hbm>>)
      tpu.yield
    }) : () -> ()
    %mul3A_75 = arith.constant 640 : i32
    %mul3A_76 = arith.muli %arg1, %mul3A_75 : i32
    %add3A_77 = arith.constant 240 : i32
    %add3A_78 = arith.addi %mul3A_76, %add3A_77 : i32
    %mul3A_79 = arith.constant 640 : i32
    %mul3A_80 = arith.muli %arg1, %mul3A_79 : i32
    %add3A_81 = arith.constant 240 : i32
    %add3A_82 = arith.addi %mul3A_80, %add3A_81 : i32
    "tpu.region"() ({
      %run_scoped3A = tpu.sem_alloc : memref<!tpu.dma_semaphore, #tpu.memory_space<semaphore_mem>>
      %dma_start3A = arith.constant 0 : i32
      %dma_start3A_115 = tpu.memref_slice %arg3[%arg0, %add3A_82, %dma_start3A] : memref<2x10240x16xf32, #tpu.memory_space<hbm>> -> memref<1x80x16xf32, #tpu.memory_space<hbm>>
      %dma_start3A_116 = tpu.memref_squeeze %dma_start3A_115 : memref<1x80x16xf32, #tpu.memory_space<hbm>> -> memref<80x16xf32, #tpu.memory_space<hbm>>
      %dma_start3A_117 = arith.constant 0 : i32
      %dma_start3A_118 = tpu.memref_slice %arg6[%add3A_78, %dma_start3A_117] : memref<10240x16xf32, #tpu.memory_space<vmem_shared>> -> memref<80x16xf32, #tpu.memory_space<vmem_shared>>
      tpu.enqueue_dma source(%dma_start3A_118 : memref<80x16xf32, #tpu.memory_space<vmem_shared>>) target(%dma_start3A_116 : memref<80x16xf32, #tpu.memory_space<hbm>>) target_semaphore(%run_scoped3A : memref<!tpu.dma_semaphore, #tpu.memory_space<semaphore_mem>>)
      %dma_wait3A = arith.constant 0 : i32
      %dma_wait3A_119 = tpu.memref_slice %arg3[%arg0, %add3A_82, %dma_wait3A] : memref<2x10240x16xf32, #tpu.memory_space<hbm>> -> memref<1x80x16xf32, #tpu.memory_space<hbm>>
      %dma_wait3A_120 = tpu.memref_squeeze %dma_wait3A_119 : memref<1x80x16xf32, #tpu.memory_space<hbm>> -> memref<80x16xf32, #tpu.memory_space<hbm>>
      %dma_wait3A_121 = arith.constant 0 : i32
      %dma_wait3A_122 = tpu.memref_slice %arg6[%add3A_78, %dma_wait3A_121] : memref<10240x16xf32, #tpu.memory_space<vmem_shared>> -> memref<80x16xf32, #tpu.memory_space<vmem_shared>>
      tpu.wait_dma2 semaphore(%run_scoped3A : memref<!tpu.dma_semaphore, #tpu.memory_space<semaphore_mem>>) src(%dma_wait3A_122 : memref<80x16xf32, #tpu.memory_space<vmem_shared>>) dst(%dma_wait3A_120 : memref<80x16xf32, #tpu.memory_space<hbm>>)
      tpu.yield
    }) : () -> ()
    %mul3A_83 = arith.constant 640 : i32
    %mul3A_84 = arith.muli %arg1, %mul3A_83 : i32
    %add3A_85 = arith.constant 320 : i32
    %add3A_86 = arith.addi %mul3A_84, %add3A_85 : i32
    %mul3A_87 = arith.constant 640 : i32
    %mul3A_88 = arith.muli %arg1, %mul3A_87 : i32
    %add3A_89 = arith.constant 320 : i32
    %add3A_90 = arith.addi %mul3A_88, %add3A_89 : i32
    "tpu.region"() ({
      %run_scoped3A = tpu.sem_alloc : memref<!tpu.dma_semaphore, #tpu.memory_space<semaphore_mem>>
      %dma_start3A = arith.constant 0 : i32
      %dma_start3A_115 = tpu.memref_slice %arg3[%arg0, %add3A_90, %dma_start3A] : memref<2x10240x16xf32, #tpu.memory_space<hbm>> -> memref<1x80x16xf32, #tpu.memory_space<hbm>>
      %dma_start3A_116 = tpu.memref_squeeze %dma_start3A_115 : memref<1x80x16xf32, #tpu.memory_space<hbm>> -> memref<80x16xf32, #tpu.memory_space<hbm>>
      %dma_start3A_117 = arith.constant 0 : i32
      %dma_start3A_118 = tpu.memref_slice %arg6[%add3A_86, %dma_start3A_117] : memref<10240x16xf32, #tpu.memory_space<vmem_shared>> -> memref<80x16xf32, #tpu.memory_space<vmem_shared>>
      tpu.enqueue_dma source(%dma_start3A_118 : memref<80x16xf32, #tpu.memory_space<vmem_shared>>) target(%dma_start3A_116 : memref<80x16xf32, #tpu.memory_space<hbm>>) target_semaphore(%run_scoped3A : memref<!tpu.dma_semaphore, #tpu.memory_space<semaphore_mem>>)
      %dma_wait3A = arith.constant 0 : i32
      %dma_wait3A_119 = tpu.memref_slice %arg3[%arg0, %add3A_90, %dma_wait3A] : memref<2x10240x16xf32, #tpu.memory_space<hbm>> -> memref<1x80x16xf32, #tpu.memory_space<hbm>>
      %dma_wait3A_120 = tpu.memref_squeeze %dma_wait3A_119 : memref<1x80x16xf32, #tpu.memory_space<hbm>> -> memref<80x16xf32, #tpu.memory_space<hbm>>
      %dma_wait3A_121 = arith.constant 0 : i32
      %dma_wait3A_122 = tpu.memref_slice %arg6[%add3A_86, %dma_wait3A_121] : memref<10240x16xf32, #tpu.memory_space<vmem_shared>> -> memref<80x16xf32, #tpu.memory_space<vmem_shared>>
      tpu.wait_dma2 semaphore(%run_scoped3A : memref<!tpu.dma_semaphore, #tpu.memory_space<semaphore_mem>>) src(%dma_wait3A_122 : memref<80x16xf32, #tpu.memory_space<vmem_shared>>) dst(%dma_wait3A_120 : memref<80x16xf32, #tpu.memory_space<hbm>>)
      tpu.yield
    }) : () -> ()
    %mul3A_91 = arith.constant 640 : i32
    %mul3A_92 = arith.muli %arg1, %mul3A_91 : i32
    %add3A_93 = arith.constant 400 : i32
    %add3A_94 = arith.addi %mul3A_92, %add3A_93 : i32
    %mul3A_95 = arith.constant 640 : i32
    %mul3A_96 = arith.muli %arg1, %mul3A_95 : i32
    %add3A_97 = arith.constant 400 : i32
    %add3A_98 = arith.addi %mul3A_96, %add3A_97 : i32
    "tpu.region"() ({
      %run_scoped3A = tpu.sem_alloc : memref<!tpu.dma_semaphore, #tpu.memory_space<semaphore_mem>>
      %dma_start3A = arith.constant 0 : i32
      %dma_start3A_115 = tpu.memref_slice %arg3[%arg0, %add3A_98, %dma_start3A] : memref<2x10240x16xf32, #tpu.memory_space<hbm>> -> memref<1x80x16xf32, #tpu.memory_space<hbm>>
      %dma_start3A_116 = tpu.memref_squeeze %dma_start3A_115 : memref<1x80x16xf32, #tpu.memory_space<hbm>> -> memref<80x16xf32, #tpu.memory_space<hbm>>
      %dma_start3A_117 = arith.constant 0 : i32
      %dma_start3A_118 = tpu.memref_slice %arg6[%add3A_94, %dma_start3A_117] : memref<10240x16xf32, #tpu.memory_space<vmem_shared>> -> memref<80x16xf32, #tpu.memory_space<vmem_shared>>
      tpu.enqueue_dma source(%dma_start3A_118 : memref<80x16xf32, #tpu.memory_space<vmem_shared>>) target(%dma_start3A_116 : memref<80x16xf32, #tpu.memory_space<hbm>>) target_semaphore(%run_scoped3A : memref<!tpu.dma_semaphore, #tpu.memory_space<semaphore_mem>>)
      %dma_wait3A = arith.constant 0 : i32
      %dma_wait3A_119 = tpu.memref_slice %arg3[%arg0, %add3A_98, %dma_wait3A] : memref<2x10240x16xf32, #tpu.memory_space<hbm>> -> memref<1x80x16xf32, #tpu.memory_space<hbm>>
      %dma_wait3A_120 = tpu.memref_squeeze %dma_wait3A_119 : memref<1x80x16xf32, #tpu.memory_space<hbm>> -> memref<80x16xf32, #tpu.memory_space<hbm>>
      %dma_wait3A_121 = arith.constant 0 : i32
      %dma_wait3A_122 = tpu.memref_slice %arg6[%add3A_94, %dma_wait3A_121] : memref<10240x16xf32, #tpu.memory_space<vmem_shared>> -> memref<80x16xf32, #tpu.memory_space<vmem_shared>>
      tpu.wait_dma2 semaphore(%run_scoped3A : memref<!tpu.dma_semaphore, #tpu.memory_space<semaphore_mem>>) src(%dma_wait3A_122 : memref<80x16xf32, #tpu.memory_space<vmem_shared>>) dst(%dma_wait3A_120 : memref<80x16xf32, #tpu.memory_space<hbm>>)
      tpu.yield
    }) : () -> ()
    %mul3A_99 = arith.constant 640 : i32
    %mul3A_100 = arith.muli %arg1, %mul3A_99 : i32
    %add3A_101 = arith.constant 480 : i32
    %add3A_102 = arith.addi %mul3A_100, %add3A_101 : i32
    %mul3A_103 = arith.constant 640 : i32
    %mul3A_104 = arith.muli %arg1, %mul3A_103 : i32
    %add3A_105 = arith.constant 480 : i32
    %add3A_106 = arith.addi %mul3A_104, %add3A_105 : i32
    "tpu.region"() ({
      %run_scoped3A = tpu.sem_alloc : memref<!tpu.dma_semaphore, #tpu.memory_space<semaphore_mem>>
      %dma_start3A = arith.constant 0 : i32
      %dma_start3A_115 = tpu.memref_slice %arg3[%arg0, %add3A_106, %dma_start3A] : memref<2x10240x16xf32, #tpu.memory_space<hbm>> -> memref<1x80x16xf32, #tpu.memory_space<hbm>>
      %dma_start3A_116 = tpu.memref_squeeze %dma_start3A_115 : memref<1x80x16xf32, #tpu.memory_space<hbm>> -> memref<80x16xf32, #tpu.memory_space<hbm>>
      %dma_start3A_117 = arith.constant 0 : i32
      %dma_start3A_118 = tpu.memref_slice %arg6[%add3A_102, %dma_start3A_117] : memref<10240x16xf32, #tpu.memory_space<vmem_shared>> -> memref<80x16xf32, #tpu.memory_space<vmem_shared>>
      tpu.enqueue_dma source(%dma_start3A_118 : memref<80x16xf32, #tpu.memory_space<vmem_shared>>) target(%dma_start3A_116 : memref<80x16xf32, #tpu.memory_space<hbm>>) target_semaphore(%run_scoped3A : memref<!tpu.dma_semaphore, #tpu.memory_space<semaphore_mem>>)
      %dma_wait3A = arith.constant 0 : i32
      %dma_wait3A_119 = tpu.memref_slice %arg3[%arg0, %add3A_106, %dma_wait3A] : memref<2x10240x16xf32, #tpu.memory_space<hbm>> -> memref<1x80x16xf32, #tpu.memory_space<hbm>>
      %dma_wait3A_120 = tpu.memref_squeeze %dma_wait3A_119 : memref<1x80x16xf32, #tpu.memory_space<hbm>> -> memref<80x16xf32, #tpu.memory_space<hbm>>
      %dma_wait3A_121 = arith.constant 0 : i32
      %dma_wait3A_122 = tpu.memref_slice %arg6[%add3A_102, %dma_wait3A_121] : memref<10240x16xf32, #tpu.memory_space<vmem_shared>> -> memref<80x16xf32, #tpu.memory_space<vmem_shared>>
      tpu.wait_dma2 semaphore(%run_scoped3A : memref<!tpu.dma_semaphore, #tpu.memory_space<semaphore_mem>>) src(%dma_wait3A_122 : memref<80x16xf32, #tpu.memory_space<vmem_shared>>) dst(%dma_wait3A_120 : memref<80x16xf32, #tpu.memory_space<hbm>>)
      tpu.yield
    }) : () -> ()
    %mul3A_107 = arith.constant 640 : i32
    %mul3A_108 = arith.muli %arg1, %mul3A_107 : i32
    %add3A_109 = arith.constant 560 : i32
    %add3A_110 = arith.addi %mul3A_108, %add3A_109 : i32
    %mul3A_111 = arith.constant 640 : i32
    %mul3A_112 = arith.muli %arg1, %mul3A_111 : i32
    %add3A_113 = arith.constant 560 : i32
    %add3A_114 = arith.addi %mul3A_112, %add3A_113 : i32
    "tpu.region"() ({
      %run_scoped3A = tpu.sem_alloc : memref<!tpu.dma_semaphore, #tpu.memory_space<semaphore_mem>>
      %dma_start3A = arith.constant 0 : i32
      %dma_start3A_115 = tpu.memref_slice %arg3[%arg0, %add3A_114, %dma_start3A] : memref<2x10240x16xf32, #tpu.memory_space<hbm>> -> memref<1x80x16xf32, #tpu.memory_space<hbm>>
      %dma_start3A_116 = tpu.memref_squeeze %dma_start3A_115 : memref<1x80x16xf32, #tpu.memory_space<hbm>> -> memref<80x16xf32, #tpu.memory_space<hbm>>
      %dma_start3A_117 = arith.constant 0 : i32
      %dma_start3A_118 = tpu.memref_slice %arg6[%add3A_110, %dma_start3A_117] : memref<10240x16xf32, #tpu.memory_space<vmem_shared>> -> memref<80x16xf32, #tpu.memory_space<vmem_shared>>
      tpu.enqueue_dma source(%dma_start3A_118 : memref<80x16xf32, #tpu.memory_space<vmem_shared>>) target(%dma_start3A_116 : memref<80x16xf32, #tpu.memory_space<hbm>>) target_semaphore(%run_scoped3A : memref<!tpu.dma_semaphore, #tpu.memory_space<semaphore_mem>>)
      %dma_wait3A = arith.constant 0 : i32
      %dma_wait3A_119 = tpu.memref_slice %arg3[%arg0, %add3A_114, %dma_wait3A] : memref<2x10240x16xf32, #tpu.memory_space<hbm>> -> memref<1x80x16xf32, #tpu.memory_space<hbm>>
      %dma_wait3A_120 = tpu.memref_squeeze %dma_wait3A_119 : memref<1x80x16xf32, #tpu.memory_space<hbm>> -> memref<80x16xf32, #tpu.memory_space<hbm>>
      %dma_wait3A_121 = arith.constant 0 : i32
      %dma_wait3A_122 = tpu.memref_slice %arg6[%add3A_110, %dma_wait3A_121] : memref<10240x16xf32, #tpu.memory_space<vmem_shared>> -> memref<80x16xf32, #tpu.memory_space<vmem_shared>>
      tpu.wait_dma2 semaphore(%run_scoped3A : memref<!tpu.dma_semaphore, #tpu.memory_space<semaphore_mem>>) src(%dma_wait3A_122 : memref<80x16xf32, #tpu.memory_space<vmem_shared>>) dst(%dma_wait3A_120 : memref<80x16xf32, #tpu.memory_space<hbm>>)
      tpu.yield
    }) : () -> ()
    return
  }
}

#map = affine_map<(d0, d1) -> (0, 0)>
#map1 = affine_map<(d0, d1) -> (0, 0, 0)>
#map2 = affine_map<(d0, d1) -> (0, 0, 0, 0)>
module attributes {stable_mosaic.version = 14 : i64} {
  func.func @hop(%arg0: i32, %arg1: i32, %arg2: memref<10000x128xf32, #tpu.memory_space<hbm>>, %arg3: memref<16x250x80xi32, #tpu.memory_space<hbm>>, %arg4: memref<2x16x250x80xi32, #tpu.memory_space<hbm>>, %arg5: memref<10240x128xf32, #tpu.memory_space<hbm>>, %arg6: memref<80xi32, #tpu.memory_space<vmem>>, %arg7: memref<80xi32, #tpu.memory_space<vmem>>, %arg8: memref<80xi32, #tpu.memory_space<vmem>>, %arg9: memref<80xi32, #tpu.memory_space<vmem>>, %arg10: memref<80x128xf32, #tpu.memory_space<vmem>>, %arg11: memref<80x128xf32, #tpu.memory_space<vmem>>, %arg12: memref<5128x128xf32, #tpu.memory_space<vmem_shared>>, %arg13: memref<!tpu.dma_semaphore, #tpu.memory_space<semaphore_mem>>, %arg14: memref<!tpu.dma_semaphore, #tpu.memory_space<semaphore_mem>>, %arg15: memref<!tpu.dma_semaphore, #tpu.memory_space<semaphore_mem>>, %arg16: memref<!tpu.dma_semaphore, #tpu.memory_space<semaphore_mem>>) attributes {dimension_semantics = [#tpu.dimension_semantics<core_parallel>, #tpu.dimension_semantics<subcore_parallel>], iteration_bounds = array<i64: 2, 16>, scalar_prefetch = 0 : i64, scratch_operands = 11 : i64, tpu.core_type = #tpu.core_type<sc_vector_subcore>, window_params = [{transform_indices = #map}, {transform_indices = #map1}, {transform_indices = #map2}, {transform_indices = #map}]} {
    %mul3A = arith.constant 5120 : i32
    %mul3A_0 = arith.muli %arg0, %mul3A : i32
    %scan3A = arith.constant 0 : i32
    %scan3A_1 = arith.constant 0 : i32
    %scan3A_2 = arith.constant 640 : i32
    %scan3A_3 = arith.addi %scan3A_1, %scan3A_2 : i32
    %scan3A_4 = arith.constant 1 : i32
    %scan3A_5 = scf.for %scan3A_85 = %scan3A_1 to %scan3A_3 step %scan3A_4 iter_args(%scan3A_86 = %scan3A) -> (i32)  : i32 {
      %jit3A = arith.constant 8 : i32
      %div3A = arith.divsi %scan3A_85, %jit3A : i32
      %sign3A = arith.constant 0 : i32
      %sign3A_87 = arith.cmpi sgt, %scan3A_85, %sign3A : i32
      %sign3A_88 = arith.extui %sign3A_87 : i1 to i32
      %sign3A_89 = arith.constant 0 : i32
      %sign3A_90 = arith.cmpi slt, %scan3A_85, %sign3A_89 : i32
      %sign3A_91 = arith.extui %sign3A_90 : i1 to i32
      %sign3A_92 = arith.subi %sign3A_88, %sign3A_91 : i32
      %sign3A_93 = arith.constant 0 : i32
      %sign3A_94 = arith.cmpi sgt, %jit3A, %sign3A_93 : i32
      %sign3A_95 = arith.extui %sign3A_94 : i1 to i32
      %sign3A_96 = arith.constant 0 : i32
      %sign3A_97 = arith.cmpi slt, %jit3A, %sign3A_96 : i32
      %sign3A_98 = arith.extui %sign3A_97 : i1 to i32
      %sign3A_99 = arith.subi %sign3A_95, %sign3A_98 : i32
      %ne3A = arith.cmpi ne, %sign3A_92, %sign3A_99 : i32
      %rem3A = arith.remsi %scan3A_85, %jit3A : i32
      %ne3A_100 = arith.constant 0 : i32
      %ne3A_101 = arith.cmpi ne, %rem3A, %ne3A_100 : i32
      %and3A = arith.andi %ne3A, %ne3A_101 : i1
      %sub3A = arith.constant 1 : i32
      %sub3A_102 = arith.subi %div3A, %sub3A : i32
      %select_n3A = arith.select %and3A, %sub3A_102, %div3A : i32
      %jit3A_103 = arith.constant 8 : i32
      %eq3A_104 = arith.constant 0 : i32
      %eq3A_105 = arith.cmpi eq, %jit3A_103, %eq3A_104 : i32
      %jit3A_106 = arith.constant 1 : i32
      %select_n3A_107 = arith.select %eq3A_105, %jit3A_106, %jit3A_103 : i32
      %rem3A_108 = arith.remsi %scan3A_85, %select_n3A_107 : i32
      %ne3A_109 = arith.constant 0 : i32
      %ne3A_110 = arith.cmpi ne, %rem3A_108, %ne3A_109 : i32
      %lt3A = arith.constant 0 : i32
      %lt3A_111 = arith.cmpi slt, %rem3A_108, %lt3A : i32
      %lt3A_112 = arith.constant 0 : i32
      %lt3A_113 = arith.cmpi slt, %select_n3A_107, %lt3A_112 : i32
      %ne3A_114 = arith.xori %lt3A_111, %lt3A_113 : i1
      %and3A_115 = arith.andi %ne3A_114, %ne3A_110 : i1
      %add3A_116 = arith.addi %rem3A_108, %select_n3A_107 : i32
      %select_n3A_117 = arith.select %and3A_115, %add3A_116, %rem3A_108 : i32
      %broadcast_in_dim3A = arith.constant 0.000000e+00 : f32
      %broadcast_in_dim3A_118 = vector.broadcast %broadcast_in_dim3A : f32 to vector<16xf32>
      %mul3A_119 = arith.constant 16 : i32
      %mul3A_120 = arith.muli %select_n3A_117, %mul3A_119 : i32
      %swap3A = arith.index_cast %select_n3A : i32 to index
      %swap3A_121 = arith.index_cast %mul3A_120 : i32 to index
      %swap3A_122 = tpu.vector_load %arg10[%swap3A, %swap3A_121] {strides = array<i32>} : memref<80x128xf32, #tpu.memory_space<vmem>>, vector<1x16xf32>,
      %swap3A_123 = vector.shape_cast %swap3A_122 : vector<1x16xf32> to vector<16xf32>
      %swap3A_124 = vector.shape_cast %broadcast_in_dim3A_118 : vector<16xf32> to vector<1x16xf32>
      tpu.vector_store %arg10[%swap3A, %swap3A_121], %swap3A_124 {strides = array<i32>} : memref<80x128xf32, #tpu.memory_space<vmem>>, vector<1x16xf32>,
      %scan3A_125 = arith.constant 0 : i32
      scf.yield %scan3A_125 : i32
    }
    %scan3A_6 = arith.constant 640 : i32
    %mul3A_7 = arith.constant 320 : i32
    %mul3A_8 = arith.muli %arg1, %mul3A_7 : i32
    %add3A = arith.constant 0 : i32
    %add3A_9 = arith.addi %mul3A_8, %add3A : i32
    "tpu.region"() ({
      %run_scoped3A_85 = tpu.sem_alloc : memref<!tpu.dma_semaphore, #tpu.memory_space<semaphore_mem>>
      %dma_start3A_86 = arith.constant 0 : i32
      %dma_start3A_87 = tpu.memref_slice %arg12[%add3A_9, %dma_start3A_86] : memref<5128x128xf32, #tpu.memory_space<vmem_shared>> -> memref<80x128xf32, #tpu.memory_space<vmem_shared>>
      %dma_start3A_88 = arith.constant 0 : i32
      %dma_start3A_89 = tpu.memref_slice %arg12[%add3A_9, %dma_start3A_88] : memref<5128x128xf32, #tpu.memory_space<vmem_shared>> -> memref<80x128xf32, #tpu.memory_space<vmem_shared>>
      tpu.enqueue_dma source(%arg10 : memref<80x128xf32, #tpu.memory_space<vmem>>) target(%dma_start3A_89 : memref<80x128xf32, #tpu.memory_space<vmem_shared>>) target_semaphore(%run_scoped3A_85 : memref<!tpu.dma_semaphore, #tpu.memory_space<semaphore_mem>>)
      %dma_wait3A = arith.constant 0 : i32
      %dma_wait3A_90 = tpu.memref_slice %arg12[%add3A_9, %dma_wait3A] : memref<5128x128xf32, #tpu.memory_space<vmem_shared>> -> memref<80x128xf32, #tpu.memory_space<vmem_shared>>
      %dma_wait3A_91 = arith.constant 0 : i32
      %dma_wait3A_92 = tpu.memref_slice %arg12[%add3A_9, %dma_wait3A_91] : memref<5128x128xf32, #tpu.memory_space<vmem_shared>> -> memref<80x128xf32, #tpu.memory_space<vmem_shared>>
      tpu.wait_dma2 semaphore(%run_scoped3A_85 : memref<!tpu.dma_semaphore, #tpu.memory_space<semaphore_mem>>) src(%arg10 : memref<80x128xf32, #tpu.memory_space<vmem>>) dst(%dma_wait3A_92 : memref<80x128xf32, #tpu.memory_space<vmem_shared>>)
      tpu.yield
    }) : () -> ()
    %mul3A_10 = arith.constant 320 : i32
    %mul3A_11 = arith.muli %arg1, %mul3A_10 : i32
    %add3A_12 = arith.constant 80 : i32
    %add3A_13 = arith.addi %mul3A_11, %add3A_12 : i32
    "tpu.region"() ({
      %run_scoped3A_85 = tpu.sem_alloc : memref<!tpu.dma_semaphore, #tpu.memory_space<semaphore_mem>>
      %dma_start3A_86 = arith.constant 0 : i32
      %dma_start3A_87 = tpu.memref_slice %arg12[%add3A_13, %dma_start3A_86] : memref<5128x128xf32, #tpu.memory_space<vmem_shared>> -> memref<80x128xf32, #tpu.memory_space<vmem_shared>>
      %dma_start3A_88 = arith.constant 0 : i32
      %dma_start3A_89 = tpu.memref_slice %arg12[%add3A_13, %dma_start3A_88] : memref<5128x128xf32, #tpu.memory_space<vmem_shared>> -> memref<80x128xf32, #tpu.memory_space<vmem_shared>>
      tpu.enqueue_dma source(%arg10 : memref<80x128xf32, #tpu.memory_space<vmem>>) target(%dma_start3A_89 : memref<80x128xf32, #tpu.memory_space<vmem_shared>>) target_semaphore(%run_scoped3A_85 : memref<!tpu.dma_semaphore, #tpu.memory_space<semaphore_mem>>)
      %dma_wait3A = arith.constant 0 : i32
      %dma_wait3A_90 = tpu.memref_slice %arg12[%add3A_13, %dma_wait3A] : memref<5128x128xf32, #tpu.memory_space<vmem_shared>> -> memref<80x128xf32, #tpu.memory_space<vmem_shared>>
      %dma_wait3A_91 = arith.constant 0 : i32
      %dma_wait3A_92 = tpu.memref_slice %arg12[%add3A_13, %dma_wait3A_91] : memref<5128x128xf32, #tpu.memory_space<vmem_shared>> -> memref<80x128xf32, #tpu.memory_space<vmem_shared>>
      tpu.wait_dma2 semaphore(%run_scoped3A_85 : memref<!tpu.dma_semaphore, #tpu.memory_space<semaphore_mem>>) src(%arg10 : memref<80x128xf32, #tpu.memory_space<vmem>>) dst(%dma_wait3A_92 : memref<80x128xf32, #tpu.memory_space<vmem_shared>>)
      tpu.yield
    }) : () -> ()
    %mul3A_14 = arith.constant 320 : i32
    %mul3A_15 = arith.muli %arg1, %mul3A_14 : i32
    %add3A_16 = arith.constant 160 : i32
    %add3A_17 = arith.addi %mul3A_15, %add3A_16 : i32
    "tpu.region"() ({
      %run_scoped3A_85 = tpu.sem_alloc : memref<!tpu.dma_semaphore, #tpu.memory_space<semaphore_mem>>
      %dma_start3A_86 = arith.constant 0 : i32
      %dma_start3A_87 = tpu.memref_slice %arg12[%add3A_17, %dma_start3A_86] : memref<5128x128xf32, #tpu.memory_space<vmem_shared>> -> memref<80x128xf32, #tpu.memory_space<vmem_shared>>
      %dma_start3A_88 = arith.constant 0 : i32
      %dma_start3A_89 = tpu.memref_slice %arg12[%add3A_17, %dma_start3A_88] : memref<5128x128xf32, #tpu.memory_space<vmem_shared>> -> memref<80x128xf32, #tpu.memory_space<vmem_shared>>
      tpu.enqueue_dma source(%arg10 : memref<80x128xf32, #tpu.memory_space<vmem>>) target(%dma_start3A_89 : memref<80x128xf32, #tpu.memory_space<vmem_shared>>) target_semaphore(%run_scoped3A_85 : memref<!tpu.dma_semaphore, #tpu.memory_space<semaphore_mem>>)
      %dma_wait3A = arith.constant 0 : i32
      %dma_wait3A_90 = tpu.memref_slice %arg12[%add3A_17, %dma_wait3A] : memref<5128x128xf32, #tpu.memory_space<vmem_shared>> -> memref<80x128xf32, #tpu.memory_space<vmem_shared>>
      %dma_wait3A_91 = arith.constant 0 : i32
      %dma_wait3A_92 = tpu.memref_slice %arg12[%add3A_17, %dma_wait3A_91] : memref<5128x128xf32, #tpu.memory_space<vmem_shared>> -> memref<80x128xf32, #tpu.memory_space<vmem_shared>>
      tpu.wait_dma2 semaphore(%run_scoped3A_85 : memref<!tpu.dma_semaphore, #tpu.memory_space<semaphore_mem>>) src(%arg10 : memref<80x128xf32, #tpu.memory_space<vmem>>) dst(%dma_wait3A_92 : memref<80x128xf32, #tpu.memory_space<vmem_shared>>)
      tpu.yield
    }) : () -> ()
    %mul3A_18 = arith.constant 320 : i32
    %mul3A_19 = arith.muli %arg1, %mul3A_18 : i32
    %add3A_20 = arith.constant 240 : i32
    %add3A_21 = arith.addi %mul3A_19, %add3A_20 : i32
    "tpu.region"() ({
      %run_scoped3A_85 = tpu.sem_alloc : memref<!tpu.dma_semaphore, #tpu.memory_space<semaphore_mem>>
      %dma_start3A_86 = arith.constant 0 : i32
      %dma_start3A_87 = tpu.memref_slice %arg12[%add3A_21, %dma_start3A_86] : memref<5128x128xf32, #tpu.memory_space<vmem_shared>> -> memref<80x128xf32, #tpu.memory_space<vmem_shared>>
      %dma_start3A_88 = arith.constant 0 : i32
      %dma_start3A_89 = tpu.memref_slice %arg12[%add3A_21, %dma_start3A_88] : memref<5128x128xf32, #tpu.memory_space<vmem_shared>> -> memref<80x128xf32, #tpu.memory_space<vmem_shared>>
      tpu.enqueue_dma source(%arg10 : memref<80x128xf32, #tpu.memory_space<vmem>>) target(%dma_start3A_89 : memref<80x128xf32, #tpu.memory_space<vmem_shared>>) target_semaphore(%run_scoped3A_85 : memref<!tpu.dma_semaphore, #tpu.memory_space<semaphore_mem>>)
      %dma_wait3A = arith.constant 0 : i32
      %dma_wait3A_90 = tpu.memref_slice %arg12[%add3A_21, %dma_wait3A] : memref<5128x128xf32, #tpu.memory_space<vmem_shared>> -> memref<80x128xf32, #tpu.memory_space<vmem_shared>>
      %dma_wait3A_91 = arith.constant 0 : i32
      %dma_wait3A_92 = tpu.memref_slice %arg12[%add3A_21, %dma_wait3A_91] : memref<5128x128xf32, #tpu.memory_space<vmem_shared>> -> memref<80x128xf32, #tpu.memory_space<vmem_shared>>
      tpu.wait_dma2 semaphore(%run_scoped3A_85 : memref<!tpu.dma_semaphore, #tpu.memory_space<semaphore_mem>>) src(%arg10 : memref<80x128xf32, #tpu.memory_space<vmem>>) dst(%dma_wait3A_92 : memref<80x128xf32, #tpu.memory_space<vmem_shared>>)
      tpu.yield
    }) : () -> ()
    %eq3A = arith.constant 0 : i32
    %eq3A_22 = arith.cmpi eq, %arg1, %eq3A : i32
    %convert_element_type3A = arith.extui %eq3A_22 : i1 to i32
    %cond3A = arith.constant 0 : i32
    %cond3A_23 = arith.cmpi ne, %convert_element_type3A, %cond3A : i32
    scf.if %cond3A_23 {
      "tpu.region"() ({
        %run_scoped3A_85 = tpu.sem_alloc : memref<!tpu.dma_semaphore, #tpu.memory_space<semaphore_mem>>
        %dma_start3A_86 = arith.constant 0 : i32
        %dma_start3A_87 = arith.constant 0 : i32
        %dma_start3A_88 = tpu.memref_slice %arg10[%dma_start3A_86, %dma_start3A_87] : memref<80x128xf32, #tpu.memory_space<vmem>> -> memref<8x128xf32, #tpu.memory_space<vmem>>
        %dma_start3A_89 = arith.constant 5120 : i32
        %dma_start3A_90 = arith.constant 0 : i32
        %dma_start3A_91 = tpu.memref_slice %arg12[%dma_start3A_89, %dma_start3A_90] : memref<5128x128xf32, #tpu.memory_space<vmem_shared>> -> memref<8x128xf32, #tpu.memory_space<vmem_shared>>
        %dma_start3A_92 = arith.constant 5120 : i32
        %dma_start3A_93 = arith.constant 0 : i32
        %dma_start3A_94 = tpu.memref_slice %arg12[%dma_start3A_92, %dma_start3A_93] : memref<5128x128xf32, #tpu.memory_space<vmem_shared>> -> memref<8x128xf32, #tpu.memory_space<vmem_shared>>
        %dma_start3A_95 = arith.constant 0 : i32
        %dma_start3A_96 = arith.constant 0 : i32
        %dma_start3A_97 = tpu.memref_slice %arg10[%dma_start3A_95, %dma_start3A_96] : memref<80x128xf32, #tpu.memory_space<vmem>> -> memref<8x128xf32, #tpu.memory_space<vmem>>
        tpu.enqueue_dma source(%dma_start3A_97 : memref<8x128xf32, #tpu.memory_space<vmem>>) target(%dma_start3A_94 : memref<8x128xf32, #tpu.memory_space<vmem_shared>>) target_semaphore(%run_scoped3A_85 : memref<!tpu.dma_semaphore, #tpu.memory_space<semaphore_mem>>)
        %dma_wait3A = arith.constant 0 : i32
        %dma_wait3A_98 = arith.constant 0 : i32
        %dma_wait3A_99 = tpu.memref_slice %arg10[%dma_wait3A, %dma_wait3A_98] : memref<80x128xf32, #tpu.memory_space<vmem>> -> memref<8x128xf32, #tpu.memory_space<vmem>>
        %dma_wait3A_100 = arith.constant 5120 : i32
        %dma_wait3A_101 = arith.constant 0 : i32
        %dma_wait3A_102 = tpu.memref_slice %arg12[%dma_wait3A_100, %dma_wait3A_101] : memref<5128x128xf32, #tpu.memory_space<vmem_shared>> -> memref<8x128xf32, #tpu.memory_space<vmem_shared>>
        %dma_wait3A_103 = arith.constant 5120 : i32
        %dma_wait3A_104 = arith.constant 0 : i32
        %dma_wait3A_105 = tpu.memref_slice %arg12[%dma_wait3A_103, %dma_wait3A_104] : memref<5128x128xf32, #tpu.memory_space<vmem_shared>> -> memref<8x128xf32, #tpu.memory_space<vmem_shared>>
        %dma_wait3A_106 = arith.constant 0 : i32
        %dma_wait3A_107 = arith.constant 0 : i32
        %dma_wait3A_108 = tpu.memref_slice %arg10[%dma_wait3A_106, %dma_wait3A_107] : memref<80x128xf32, #tpu.memory_space<vmem>> -> memref<8x128xf32, #tpu.memory_space<vmem>>
        tpu.wait_dma2 semaphore(%run_scoped3A_85 : memref<!tpu.dma_semaphore, #tpu.memory_space<semaphore_mem>>) src(%dma_wait3A_108 : memref<8x128xf32, #tpu.memory_space<vmem>>) dst(%dma_wait3A_105 : memref<8x128xf32, #tpu.memory_space<vmem_shared>>)
        tpu.yield
      }) : () -> ()
    } else {
    }
    %barrier3A = arith.constant 0 : index
    tpu.barrier barrier_id(%barrier3A)
    %run_scoped3A = arith.constant 0 : i32
    "tpu.region"() ({
      %run_scoped3A_85 = tpu.sem_alloc : memref<!tpu.dma_semaphore, #tpu.memory_space<semaphore_mem>>
      %dma_start3A_86 = arith.constant 0 : i32
      %dma_start3A_87 = tpu.memref_slice %arg3[%arg1, %run_scoped3A, %dma_start3A_86] : memref<16x250x80xi32, #tpu.memory_space<hbm>> -> memref<1x1x80xi32, #tpu.memory_space<hbm>>
      %dma_start3A_88 = tpu.memref_squeeze %dma_start3A_87 : memref<1x1x80xi32, #tpu.memory_space<hbm>> -> memref<80xi32, #tpu.memory_space<hbm>>
      %dma_start3A_89 = arith.constant 0 : i32
      %dma_start3A_90 = tpu.memref_slice %arg3[%arg1, %run_scoped3A, %dma_start3A_89] : memref<16x250x80xi32, #tpu.memory_space<hbm>> -> memref<1x1x80xi32, #tpu.memory_space<hbm>>
      %dma_start3A_91 = tpu.memref_squeeze %dma_start3A_90 : memref<1x1x80xi32, #tpu.memory_space<hbm>> -> memref<80xi32, #tpu.memory_space<hbm>>
      tpu.enqueue_dma source(%dma_start3A_91 : memref<80xi32, #tpu.memory_space<hbm>>) target(%arg6 : memref<80xi32, #tpu.memory_space<vmem>>) target_semaphore(%run_scoped3A_85 : memref<!tpu.dma_semaphore, #tpu.memory_space<semaphore_mem>>)
      %dma_wait3A = arith.constant 0 : i32
      %dma_wait3A_92 = tpu.memref_slice %arg3[%arg1, %run_scoped3A, %dma_wait3A] : memref<16x250x80xi32, #tpu.memory_space<hbm>> -> memref<1x1x80xi32, #tpu.memory_space<hbm>>
      %dma_wait3A_93 = tpu.memref_squeeze %dma_wait3A_92 : memref<1x1x80xi32, #tpu.memory_space<hbm>> -> memref<80xi32, #tpu.memory_space<hbm>>
      %dma_wait3A_94 = arith.constant 0 : i32
      %dma_wait3A_95 = tpu.memref_slice %arg3[%arg1, %run_scoped3A, %dma_wait3A_94] : memref<16x250x80xi32, #tpu.memory_space<hbm>> -> memref<1x1x80xi32, #tpu.memory_space<hbm>>
      %dma_wait3A_96 = tpu.memref_squeeze %dma_wait3A_95 : memref<1x1x80xi32, #tpu.memory_space<hbm>> -> memref<80xi32, #tpu.memory_space<hbm>>
      tpu.wait_dma2 semaphore(%run_scoped3A_85 : memref<!tpu.dma_semaphore, #tpu.memory_space<semaphore_mem>>) src(%dma_wait3A_96 : memref<80xi32, #tpu.memory_space<hbm>>) dst(%arg6 : memref<80xi32, #tpu.memory_space<vmem>>)
      tpu.yield
    }) : () -> ()
    %run_scoped3A_24 = arith.constant 0 : i32
    "tpu.region"() ({
      %run_scoped3A_85 = tpu.sem_alloc : memref<!tpu.dma_semaphore, #tpu.memory_space<semaphore_mem>>
      %dma_start3A_86 = arith.constant 0 : i32
      %dma_start3A_87 = tpu.memref_slice %arg4[%arg0, %arg1, %run_scoped3A_24, %dma_start3A_86] : memref<2x16x250x80xi32, #tpu.memory_space<hbm>> -> memref<1x1x1x80xi32, #tpu.memory_space<hbm>>
      %dma_start3A_88 = tpu.memref_squeeze %dma_start3A_87 : memref<1x1x1x80xi32, #tpu.memory_space<hbm>> -> memref<80xi32, #tpu.memory_space<hbm>>
      %dma_start3A_89 = arith.constant 0 : i32
      %dma_start3A_90 = tpu.memref_slice %arg4[%arg0, %arg1, %run_scoped3A_24, %dma_start3A_89] : memref<2x16x250x80xi32, #tpu.memory_space<hbm>> -> memref<1x1x1x80xi32, #tpu.memory_space<hbm>>
      %dma_start3A_91 = tpu.memref_squeeze %dma_start3A_90 : memref<1x1x1x80xi32, #tpu.memory_space<hbm>> -> memref<80xi32, #tpu.memory_space<hbm>>
      tpu.enqueue_dma source(%dma_start3A_91 : memref<80xi32, #tpu.memory_space<hbm>>) target(%arg7 : memref<80xi32, #tpu.memory_space<vmem>>) target_semaphore(%run_scoped3A_85 : memref<!tpu.dma_semaphore, #tpu.memory_space<semaphore_mem>>)
      %dma_wait3A = arith.constant 0 : i32
      %dma_wait3A_92 = tpu.memref_slice %arg4[%arg0, %arg1, %run_scoped3A_24, %dma_wait3A] : memref<2x16x250x80xi32, #tpu.memory_space<hbm>> -> memref<1x1x1x80xi32, #tpu.memory_space<hbm>>
      %dma_wait3A_93 = tpu.memref_squeeze %dma_wait3A_92 : memref<1x1x1x80xi32, #tpu.memory_space<hbm>> -> memref<80xi32, #tpu.memory_space<hbm>>
      %dma_wait3A_94 = arith.constant 0 : i32
      %dma_wait3A_95 = tpu.memref_slice %arg4[%arg0, %arg1, %run_scoped3A_24, %dma_wait3A_94] : memref<2x16x250x80xi32, #tpu.memory_space<hbm>> -> memref<1x1x1x80xi32, #tpu.memory_space<hbm>>
      %dma_wait3A_96 = tpu.memref_squeeze %dma_wait3A_95 : memref<1x1x1x80xi32, #tpu.memory_space<hbm>> -> memref<80xi32, #tpu.memory_space<hbm>>
      tpu.wait_dma2 semaphore(%run_scoped3A_85 : memref<!tpu.dma_semaphore, #tpu.memory_space<semaphore_mem>>) src(%dma_wait3A_96 : memref<80xi32, #tpu.memory_space<hbm>>) dst(%arg7 : memref<80xi32, #tpu.memory_space<vmem>>)
      tpu.yield
    }) : () -> ()
    %dma_start3A = arith.constant 0 : i32
    %dma_start3A_25 = arith.constant 0 : i32
    %dma_start3A_26 = tpu.memref_slice %arg2[%dma_start3A, %dma_start3A_25] : memref<10000x128xf32, #tpu.memory_space<hbm>> -> memref<10000x128xf32, #tpu.memory_space<hbm>>
    tpu.enqueue_indirect_dma source(%dma_start3A_26 : memref<10000x128xf32, #tpu.memory_space<hbm>>) target(%arg10 : memref<80x128xf32, #tpu.memory_space<vmem>>) offsets(%arg6 : memref<80xi32, #tpu.memory_space<vmem>>) semaphore(%arg13 : memref<!tpu.dma_semaphore, #tpu.memory_space<semaphore_mem>>)
    %dma_start3A_27 = arith.constant 1 : i32
    %dma_start3A_28 = arith.constant 0 : i32
    %dma_start3A_29 = tpu.memref_slice %arg3[%arg1, %dma_start3A_27, %dma_start3A_28] : memref<16x250x80xi32, #tpu.memory_space<hbm>> -> memref<1x1x80xi32, #tpu.memory_space<hbm>>
    %dma_start3A_30 = tpu.memref_squeeze %dma_start3A_29 : memref<1x1x80xi32, #tpu.memory_space<hbm>> -> memref<80xi32, #tpu.memory_space<hbm>>
    %dma_start3A_31 = arith.constant 0 : i32
    %dma_start3A_32 = tpu.memref_slice %arg3[%arg1, %dma_start3A_27, %dma_start3A_31] : memref<16x250x80xi32, #tpu.memory_space<hbm>> -> memref<1x1x80xi32, #tpu.memory_space<hbm>>
    %dma_start3A_33 = tpu.memref_squeeze %dma_start3A_32 : memref<1x1x80xi32, #tpu.memory_space<hbm>> -> memref<80xi32, #tpu.memory_space<hbm>>
    tpu.enqueue_dma source(%dma_start3A_33 : memref<80xi32, #tpu.memory_space<hbm>>) target(%arg8 : memref<80xi32, #tpu.memory_space<vmem>>) target_semaphore(%arg16 : memref<!tpu.dma_semaphore, #tpu.memory_space<semaphore_mem>>)
    %dma_start3A_34 = arith.constant 1 : i32
    %dma_start3A_35 = arith.constant 0 : i32
    %dma_start3A_36 = tpu.memref_slice %arg4[%arg0, %arg1, %dma_start3A_34, %dma_start3A_35] : memref<2x16x250x80xi32, #tpu.memory_space<hbm>> -> memref<1x1x1x80xi32, #tpu.memory_space<hbm>>
    %dma_start3A_37 = tpu.memref_squeeze %dma_start3A_36 : memref<1x1x1x80xi32, #tpu.memory_space<hbm>> -> memref<80xi32, #tpu.memory_space<hbm>>
    %dma_start3A_38 = arith.constant 0 : i32
    %dma_start3A_39 = tpu.memref_slice %arg4[%arg0, %arg1, %dma_start3A_34, %dma_start3A_38] : memref<2x16x250x80xi32, #tpu.memory_space<hbm>> -> memref<1x1x1x80xi32, #tpu.memory_space<hbm>>
    %dma_start3A_40 = tpu.memref_squeeze %dma_start3A_39 : memref<1x1x1x80xi32, #tpu.memory_space<hbm>> -> memref<80xi32, #tpu.memory_space<hbm>>
    tpu.enqueue_dma source(%dma_start3A_40 : memref<80xi32, #tpu.memory_space<hbm>>) target(%arg9 : memref<80xi32, #tpu.memory_space<vmem>>) target_semaphore(%arg16 : memref<!tpu.dma_semaphore, #tpu.memory_space<semaphore_mem>>)
    %scan3A_41 = arith.constant 0 : i32
    %scan3A_42 = arith.constant 0 : i32
    %scan3A_43 = arith.constant 125 : i32
    %scan3A_44 = arith.addi %scan3A_42, %scan3A_43 : i32
    %scan3A_45 = arith.constant 1 : i32
    %scan3A_46 = scf.for %scan3A_85 = %scan3A_42 to %scan3A_44 step %scan3A_45 iter_args(%scan3A_86 = %scan3A_41) -> (i32)  : i32 {
      %mul3A_87 = arith.constant 2 : i32
      %mul3A_88 = arith.muli %mul3A_87, %scan3A_85 : i32
      %add3A_89 = arith.constant 1 : i32
      %add3A_90 = arith.addi %mul3A_88, %add3A_89 : i32
      %mul3A_91 = arith.constant 2 : i32
      %mul3A_92 = arith.muli %mul3A_91, %scan3A_85 : i32
      %add3A_93 = arith.constant 2 : i32
      %add3A_94 = arith.addi %mul3A_92, %add3A_93 : i32
      %mul3A_95 = arith.constant 2 : i32
      %mul3A_96 = arith.muli %mul3A_95, %scan3A_85 : i32
      %add3A_97 = arith.constant 3 : i32
      %add3A_98 = arith.addi %mul3A_96, %add3A_97 : i32
      %dma_wait3A = arith.constant 0 : i32
      %dma_wait3A_99 = tpu.memref_slice %arg3[%arg1, %add3A_90, %dma_wait3A] : memref<16x250x80xi32, #tpu.memory_space<hbm>> -> memref<1x1x80xi32, #tpu.memory_space<hbm>>
      %dma_wait3A_100 = tpu.memref_squeeze %dma_wait3A_99 : memref<1x1x80xi32, #tpu.memory_space<hbm>> -> memref<80xi32, #tpu.memory_space<hbm>>
      %dma_wait3A_101 = arith.constant 0 : i32
      %dma_wait3A_102 = tpu.memref_slice %arg3[%arg1, %add3A_90, %dma_wait3A_101] : memref<16x250x80xi32, #tpu.memory_space<hbm>> -> memref<1x1x80xi32, #tpu.memory_space<hbm>>
      %dma_wait3A_103 = tpu.memref_squeeze %dma_wait3A_102 : memref<1x1x80xi32, #tpu.memory_space<hbm>> -> memref<80xi32, #tpu.memory_space<hbm>>
      tpu.wait_dma2 semaphore(%arg16 : memref<!tpu.dma_semaphore, #tpu.memory_space<semaphore_mem>>) src(%dma_wait3A_103 : memref<80xi32, #tpu.memory_space<hbm>>) dst(%arg8 : memref<80xi32, #tpu.memory_space<vmem>>)
      %dma_wait3A_104 = arith.constant 0 : i32
      %dma_wait3A_105 = tpu.memref_slice %arg4[%arg0, %arg1, %add3A_90, %dma_wait3A_104] : memref<2x16x250x80xi32, #tpu.memory_space<hbm>> -> memref<1x1x1x80xi32, #tpu.memory_space<hbm>>
      %dma_wait3A_106 = tpu.memref_squeeze %dma_wait3A_105 : memref<1x1x1x80xi32, #tpu.memory_space<hbm>> -> memref<80xi32, #tpu.memory_space<hbm>>
      %dma_wait3A_107 = arith.constant 0 : i32
      %dma_wait3A_108 = tpu.memref_slice %arg4[%arg0, %arg1, %add3A_90, %dma_wait3A_107] : memref<2x16x250x80xi32, #tpu.memory_space<hbm>> -> memref<1x1x1x80xi32, #tpu.memory_space<hbm>>
      %dma_wait3A_109 = tpu.memref_squeeze %dma_wait3A_108 : memref<1x1x1x80xi32, #tpu.memory_space<hbm>> -> memref<80xi32, #tpu.memory_space<hbm>>
      tpu.wait_dma2 semaphore(%arg16 : memref<!tpu.dma_semaphore, #tpu.memory_space<semaphore_mem>>) src(%dma_wait3A_109 : memref<80xi32, #tpu.memory_space<hbm>>) dst(%arg9 : memref<80xi32, #tpu.memory_space<vmem>>)
      %dma_start3A_110 = arith.constant 0 : i32
      %dma_start3A_111 = arith.constant 0 : i32
      %dma_start3A_112 = tpu.memref_slice %arg2[%dma_start3A_110, %dma_start3A_111] : memref<10000x128xf32, #tpu.memory_space<hbm>> -> memref<10000x128xf32, #tpu.memory_space<hbm>>
      tpu.enqueue_indirect_dma source(%dma_start3A_112 : memref<10000x128xf32, #tpu.memory_space<hbm>>) target(%arg11 : memref<80x128xf32, #tpu.memory_space<vmem>>) offsets(%arg8 : memref<80xi32, #tpu.memory_space<vmem>>) semaphore(%arg14 : memref<!tpu.dma_semaphore, #tpu.memory_space<semaphore_mem>>)
      %dma_wait3A_113 = arith.constant 0 : i32
      %dma_wait3A_114 = arith.constant 0 : i32
      %dma_wait3A_115 = tpu.memref_slice %arg2[%dma_wait3A_113, %dma_wait3A_114] : memref<10000x128xf32, #tpu.memory_space<hbm>> -> memref<10000x128xf32, #tpu.memory_space<hbm>>
      tpu.wait_indirect_dma semaphore(%arg13 : memref<!tpu.dma_semaphore, #tpu.memory_space<semaphore_mem>>) src(%dma_wait3A_115 : memref<10000x128xf32, #tpu.memory_space<hbm>>) dst(%arg10 : memref<80x128xf32, #tpu.memory_space<vmem>>)
      "tpu.region"() ({
        %run_scoped3A_129 = tpu.sem_alloc : memref<!tpu.dma_semaphore, #tpu.memory_space<semaphore_mem>>
        %dma_start3A_130 = arith.constant 0 : i32
        %dma_start3A_131 = arith.constant 0 : i32
        %dma_start3A_132 = tpu.memref_slice %arg12[%dma_start3A_130, %dma_start3A_131] : memref<5128x128xf32, #tpu.memory_space<vmem_shared>> -> memref<5128x128xf32, #tpu.memory_space<vmem_shared>>
        tpu.enqueue_indirect_dma source(%arg10 : memref<80x128xf32, #tpu.memory_space<vmem>>) target(%dma_start3A_132 : memref<5128x128xf32, #tpu.memory_space<vmem_shared>>) offsets(%arg7 : memref<80xi32, #tpu.memory_space<vmem>>) semaphore(%run_scoped3A_129 : memref<!tpu.dma_semaphore, #tpu.memory_space<semaphore_mem>>) {add = true}
        %dma_wait3A_133 = arith.constant 0 : i32
        %dma_wait3A_134 = arith.constant 0 : i32
        %dma_wait3A_135 = tpu.memref_slice %arg12[%dma_wait3A_133, %dma_wait3A_134] : memref<5128x128xf32, #tpu.memory_space<vmem_shared>> -> memref<5128x128xf32, #tpu.memory_space<vmem_shared>>
        tpu.wait_indirect_dma semaphore(%run_scoped3A_129 : memref<!tpu.dma_semaphore, #tpu.memory_space<semaphore_mem>>) src(%arg10 : memref<80x128xf32, #tpu.memory_space<vmem>>) dst(%dma_wait3A_135 : memref<5128x128xf32, #tpu.memory_space<vmem_shared>>)
        tpu.yield
      }) : () -> ()
      %lt3A = arith.constant 250 : i32
      %lt3A_116 = arith.cmpi slt, %add3A_94, %lt3A : i32
      %convert_element_type3A_117 = arith.extui %lt3A_116 : i1 to i32
      %cond3A_118 = arith.constant 0 : i32
      %cond3A_119 = arith.cmpi ne, %convert_element_type3A_117, %cond3A_118 : i32
      scf.if %cond3A_119 {
        %dma_start3A_129 = arith.constant 0 : i32
        %dma_start3A_130 = tpu.memref_slice %arg3[%arg1, %add3A_94, %dma_start3A_129] : memref<16x250x80xi32, #tpu.memory_space<hbm>> -> memref<1x1x80xi32, #tpu.memory_space<hbm>>
        %dma_start3A_131 = tpu.memref_squeeze %dma_start3A_130 : memref<1x1x80xi32, #tpu.memory_space<hbm>> -> memref<80xi32, #tpu.memory_space<hbm>>
        %dma_start3A_132 = arith.constant 0 : i32
        %dma_start3A_133 = tpu.memref_slice %arg3[%arg1, %add3A_94, %dma_start3A_132] : memref<16x250x80xi32, #tpu.memory_space<hbm>> -> memref<1x1x80xi32, #tpu.memory_space<hbm>>
        %dma_start3A_134 = tpu.memref_squeeze %dma_start3A_133 : memref<1x1x80xi32, #tpu.memory_space<hbm>> -> memref<80xi32, #tpu.memory_space<hbm>>
        tpu.enqueue_dma source(%dma_start3A_134 : memref<80xi32, #tpu.memory_space<hbm>>) target(%arg6 : memref<80xi32, #tpu.memory_space<vmem>>) target_semaphore(%arg15 : memref<!tpu.dma_semaphore, #tpu.memory_space<semaphore_mem>>)
        %dma_start3A_135 = arith.constant 0 : i32
        %dma_start3A_136 = tpu.memref_slice %arg4[%arg0, %arg1, %add3A_94, %dma_start3A_135] : memref<2x16x250x80xi32, #tpu.memory_space<hbm>> -> memref<1x1x1x80xi32, #tpu.memory_space<hbm>>
        %dma_start3A_137 = tpu.memref_squeeze %dma_start3A_136 : memref<1x1x1x80xi32, #tpu.memory_space<hbm>> -> memref<80xi32, #tpu.memory_space<hbm>>
        %dma_start3A_138 = arith.constant 0 : i32
        %dma_start3A_139 = tpu.memref_slice %arg4[%arg0, %arg1, %add3A_94, %dma_start3A_138] : memref<2x16x250x80xi32, #tpu.memory_space<hbm>> -> memref<1x1x1x80xi32, #tpu.memory_space<hbm>>
        %dma_start3A_140 = tpu.memref_squeeze %dma_start3A_139 : memref<1x1x1x80xi32, #tpu.memory_space<hbm>> -> memref<80xi32, #tpu.memory_space<hbm>>
        tpu.enqueue_dma source(%dma_start3A_140 : memref<80xi32, #tpu.memory_space<hbm>>) target(%arg7 : memref<80xi32, #tpu.memory_space<vmem>>) target_semaphore(%arg15 : memref<!tpu.dma_semaphore, #tpu.memory_space<semaphore_mem>>)
        %dma_wait3A_141 = arith.constant 0 : i32
        %dma_wait3A_142 = tpu.memref_slice %arg3[%arg1, %add3A_94, %dma_wait3A_141] : memref<16x250x80xi32, #tpu.memory_space<hbm>> -> memref<1x1x80xi32, #tpu.memory_space<hbm>>
        %dma_wait3A_143 = tpu.memref_squeeze %dma_wait3A_142 : memref<1x1x80xi32, #tpu.memory_space<hbm>> -> memref<80xi32, #tpu.memory_space<hbm>>
        %dma_wait3A_144 = arith.constant 0 : i32
        %dma_wait3A_145 = tpu.memref_slice %arg3[%arg1, %add3A_94, %dma_wait3A_144] : memref<16x250x80xi32, #tpu.memory_space<hbm>> -> memref<1x1x80xi32, #tpu.memory_space<hbm>>
        %dma_wait3A_146 = tpu.memref_squeeze %dma_wait3A_145 : memref<1x1x80xi32, #tpu.memory_space<hbm>> -> memref<80xi32, #tpu.memory_space<hbm>>
        tpu.wait_dma2 semaphore(%arg15 : memref<!tpu.dma_semaphore, #tpu.memory_space<semaphore_mem>>) src(%dma_wait3A_146 : memref<80xi32, #tpu.memory_space<hbm>>) dst(%arg6 : memref<80xi32, #tpu.memory_space<vmem>>)
        %dma_wait3A_147 = arith.constant 0 : i32
        %dma_wait3A_148 = tpu.memref_slice %arg4[%arg0, %arg1, %add3A_94, %dma_wait3A_147] : memref<2x16x250x80xi32, #tpu.memory_space<hbm>> -> memref<1x1x1x80xi32, #tpu.memory_space<hbm>>
        %dma_wait3A_149 = tpu.memref_squeeze %dma_wait3A_148 : memref<1x1x1x80xi32, #tpu.memory_space<hbm>> -> memref<80xi32, #tpu.memory_space<hbm>>
        %dma_wait3A_150 = arith.constant 0 : i32
        %dma_wait3A_151 = tpu.memref_slice %arg4[%arg0, %arg1, %add3A_94, %dma_wait3A_150] : memref<2x16x250x80xi32, #tpu.memory_space<hbm>> -> memref<1x1x1x80xi32, #tpu.memory_space<hbm>>
        %dma_wait3A_152 = tpu.memref_squeeze %dma_wait3A_151 : memref<1x1x1x80xi32, #tpu.memory_space<hbm>> -> memref<80xi32, #tpu.memory_space<hbm>>
        tpu.wait_dma2 semaphore(%arg15 : memref<!tpu.dma_semaphore, #tpu.memory_space<semaphore_mem>>) src(%dma_wait3A_152 : memref<80xi32, #tpu.memory_space<hbm>>) dst(%arg7 : memref<80xi32, #tpu.memory_space<vmem>>)
        %dma_start3A_153 = arith.constant 0 : i32
        %dma_start3A_154 = arith.constant 0 : i32
        %dma_start3A_155 = tpu.memref_slice %arg2[%dma_start3A_153, %dma_start3A_154] : memref<10000x128xf32, #tpu.memory_space<hbm>> -> memref<10000x128xf32, #tpu.memory_space<hbm>>
        tpu.enqueue_indirect_dma source(%dma_start3A_155 : memref<10000x128xf32, #tpu.memory_space<hbm>>) target(%arg10 : memref<80x128xf32, #tpu.memory_space<vmem>>) offsets(%arg6 : memref<80xi32, #tpu.memory_space<vmem>>) semaphore(%arg13 : memref<!tpu.dma_semaphore, #tpu.memory_space<semaphore_mem>>)
      } else {
      }
      %dma_wait3A_120 = arith.constant 0 : i32
      %dma_wait3A_121 = arith.constant 0 : i32
      %dma_wait3A_122 = tpu.memref_slice %arg2[%dma_wait3A_120, %dma_wait3A_121] : memref<10000x128xf32, #tpu.memory_space<hbm>> -> memref<10000x128xf32, #tpu.memory_space<hbm>>
      tpu.wait_indirect_dma semaphore(%arg14 : memref<!tpu.dma_semaphore, #tpu.memory_space<semaphore_mem>>) src(%dma_wait3A_122 : memref<10000x128xf32, #tpu.memory_space<hbm>>) dst(%arg11 : memref<80x128xf32, #tpu.memory_space<vmem>>)
      "tpu.region"() ({
        %run_scoped3A_129 = tpu.sem_alloc : memref<!tpu.dma_semaphore, #tpu.memory_space<semaphore_mem>>
        %dma_start3A_130 = arith.constant 0 : i32
        %dma_start3A_131 = arith.constant 0 : i32
        %dma_start3A_132 = tpu.memref_slice %arg12[%dma_start3A_130, %dma_start3A_131] : memref<5128x128xf32, #tpu.memory_space<vmem_shared>> -> memref<5128x128xf32, #tpu.memory_space<vmem_shared>>
        tpu.enqueue_indirect_dma source(%arg11 : memref<80x128xf32, #tpu.memory_space<vmem>>) target(%dma_start3A_132 : memref<5128x128xf32, #tpu.memory_space<vmem_shared>>) offsets(%arg9 : memref<80xi32, #tpu.memory_space<vmem>>) semaphore(%run_scoped3A_129 : memref<!tpu.dma_semaphore, #tpu.memory_space<semaphore_mem>>) {add = true}
        %dma_wait3A_133 = arith.constant 0 : i32
        %dma_wait3A_134 = arith.constant 0 : i32
        %dma_wait3A_135 = tpu.memref_slice %arg12[%dma_wait3A_133, %dma_wait3A_134] : memref<5128x128xf32, #tpu.memory_space<vmem_shared>> -> memref<5128x128xf32, #tpu.memory_space<vmem_shared>>
        tpu.wait_indirect_dma semaphore(%run_scoped3A_129 : memref<!tpu.dma_semaphore, #tpu.memory_space<semaphore_mem>>) src(%arg11 : memref<80x128xf32, #tpu.memory_space<vmem>>) dst(%dma_wait3A_135 : memref<5128x128xf32, #tpu.memory_space<vmem_shared>>)
        tpu.yield
      }) : () -> ()
      %lt3A_123 = arith.constant 250 : i32
      %lt3A_124 = arith.cmpi slt, %add3A_98, %lt3A_123 : i32
      %convert_element_type3A_125 = arith.extui %lt3A_124 : i1 to i32
      %cond3A_126 = arith.constant 0 : i32
      %cond3A_127 = arith.cmpi ne, %convert_element_type3A_125, %cond3A_126 : i32
      scf.if %cond3A_127 {
        %dma_start3A_129 = arith.constant 0 : i32
        %dma_start3A_130 = tpu.memref_slice %arg3[%arg1, %add3A_98, %dma_start3A_129] : memref<16x250x80xi32, #tpu.memory_space<hbm>> -> memref<1x1x80xi32, #tpu.memory_space<hbm>>
        %dma_start3A_131 = tpu.memref_squeeze %dma_start3A_130 : memref<1x1x80xi32, #tpu.memory_space<hbm>> -> memref<80xi32, #tpu.memory_space<hbm>>
        %dma_start3A_132 = arith.constant 0 : i32
        %dma_start3A_133 = tpu.memref_slice %arg3[%arg1, %add3A_98, %dma_start3A_132] : memref<16x250x80xi32, #tpu.memory_space<hbm>> -> memref<1x1x80xi32, #tpu.memory_space<hbm>>
        %dma_start3A_134 = tpu.memref_squeeze %dma_start3A_133 : memref<1x1x80xi32, #tpu.memory_space<hbm>> -> memref<80xi32, #tpu.memory_space<hbm>>
        tpu.enqueue_dma source(%dma_start3A_134 : memref<80xi32, #tpu.memory_space<hbm>>) target(%arg8 : memref<80xi32, #tpu.memory_space<vmem>>) target_semaphore(%arg16 : memref<!tpu.dma_semaphore, #tpu.memory_space<semaphore_mem>>)
        %dma_start3A_135 = arith.constant 0 : i32
        %dma_start3A_136 = tpu.memref_slice %arg4[%arg0, %arg1, %add3A_98, %dma_start3A_135] : memref<2x16x250x80xi32, #tpu.memory_space<hbm>> -> memref<1x1x1x80xi32, #tpu.memory_space<hbm>>
        %dma_start3A_137 = tpu.memref_squeeze %dma_start3A_136 : memref<1x1x1x80xi32, #tpu.memory_space<hbm>> -> memref<80xi32, #tpu.memory_space<hbm>>
        %dma_start3A_138 = arith.constant 0 : i32
        %dma_start3A_139 = tpu.memref_slice %arg4[%arg0, %arg1, %add3A_98, %dma_start3A_138] : memref<2x16x250x80xi32, #tpu.memory_space<hbm>> -> memref<1x1x1x80xi32, #tpu.memory_space<hbm>>
        %dma_start3A_140 = tpu.memref_squeeze %dma_start3A_139 : memref<1x1x1x80xi32, #tpu.memory_space<hbm>> -> memref<80xi32, #tpu.memory_space<hbm>>
        tpu.enqueue_dma source(%dma_start3A_140 : memref<80xi32, #tpu.memory_space<hbm>>) target(%arg9 : memref<80xi32, #tpu.memory_space<vmem>>) target_semaphore(%arg16 : memref<!tpu.dma_semaphore, #tpu.memory_space<semaphore_mem>>)
      } else {
      }
      %scan3A_128 = arith.constant 0 : i32
      scf.yield %scan3A_128 : i32
    }
    %scan3A_47 = arith.constant 125 : i32
    %barrier3A_48 = arith.constant 0 : index
    tpu.barrier barrier_id(%barrier3A_48)
    %mul3A_49 = arith.constant 320 : i32
    %mul3A_50 = arith.muli %arg1, %mul3A_49 : i32
    %add3A_51 = arith.constant 0 : i32
    %add3A_52 = arith.addi %mul3A_50, %add3A_51 : i32
    "tpu.region"() ({
      %run_scoped3A_85 = tpu.sem_alloc : memref<!tpu.dma_semaphore, #tpu.memory_space<semaphore_mem>>
      %dma_start3A_86 = arith.constant 0 : i32
      %dma_start3A_87 = tpu.memref_slice %arg12[%add3A_52, %dma_start3A_86] : memref<5128x128xf32, #tpu.memory_space<vmem_shared>> -> memref<80x128xf32, #tpu.memory_space<vmem_shared>>
      %dma_start3A_88 = arith.constant 0 : i32
      %dma_start3A_89 = tpu.memref_slice %arg12[%add3A_52, %dma_start3A_88] : memref<5128x128xf32, #tpu.memory_space<vmem_shared>> -> memref<80x128xf32, #tpu.memory_space<vmem_shared>>
      tpu.enqueue_dma source(%dma_start3A_89 : memref<80x128xf32, #tpu.memory_space<vmem_shared>>) target(%arg10 : memref<80x128xf32, #tpu.memory_space<vmem>>) target_semaphore(%run_scoped3A_85 : memref<!tpu.dma_semaphore, #tpu.memory_space<semaphore_mem>>)
      %dma_wait3A = arith.constant 0 : i32
      %dma_wait3A_90 = tpu.memref_slice %arg12[%add3A_52, %dma_wait3A] : memref<5128x128xf32, #tpu.memory_space<vmem_shared>> -> memref<80x128xf32, #tpu.memory_space<vmem_shared>>
      %dma_wait3A_91 = arith.constant 0 : i32
      %dma_wait3A_92 = tpu.memref_slice %arg12[%add3A_52, %dma_wait3A_91] : memref<5128x128xf32, #tpu.memory_space<vmem_shared>> -> memref<80x128xf32, #tpu.memory_space<vmem_shared>>
      tpu.wait_dma2 semaphore(%run_scoped3A_85 : memref<!tpu.dma_semaphore, #tpu.memory_space<semaphore_mem>>) src(%dma_wait3A_92 : memref<80x128xf32, #tpu.memory_space<vmem_shared>>) dst(%arg10 : memref<80x128xf32, #tpu.memory_space<vmem>>)
      tpu.yield
    }) : () -> ()
    %mul3A_53 = arith.constant 320 : i32
    %mul3A_54 = arith.muli %arg1, %mul3A_53 : i32
    %add3A_55 = arith.addi %mul3A_0, %mul3A_54 : i32
    %add3A_56 = arith.constant 0 : i32
    %add3A_57 = arith.addi %add3A_55, %add3A_56 : i32
    "tpu.region"() ({
      %run_scoped3A_85 = tpu.sem_alloc : memref<!tpu.dma_semaphore, #tpu.memory_space<semaphore_mem>>
      %dma_start3A_86 = arith.constant 0 : i32
      %dma_start3A_87 = tpu.memref_slice %arg5[%add3A_57, %dma_start3A_86] : memref<10240x128xf32, #tpu.memory_space<hbm>> -> memref<80x128xf32, #tpu.memory_space<hbm>>
      %dma_start3A_88 = arith.constant 0 : i32
      %dma_start3A_89 = tpu.memref_slice %arg5[%add3A_57, %dma_start3A_88] : memref<10240x128xf32, #tpu.memory_space<hbm>> -> memref<80x128xf32, #tpu.memory_space<hbm>>
      tpu.enqueue_dma source(%arg10 : memref<80x128xf32, #tpu.memory_space<vmem>>) target(%dma_start3A_89 : memref<80x128xf32, #tpu.memory_space<hbm>>) target_semaphore(%run_scoped3A_85 : memref<!tpu.dma_semaphore, #tpu.memory_space<semaphore_mem>>)
      %dma_wait3A = arith.constant 0 : i32
      %dma_wait3A_90 = tpu.memref_slice %arg5[%add3A_57, %dma_wait3A] : memref<10240x128xf32, #tpu.memory_space<hbm>> -> memref<80x128xf32, #tpu.memory_space<hbm>>
      %dma_wait3A_91 = arith.constant 0 : i32
      %dma_wait3A_92 = tpu.memref_slice %arg5[%add3A_57, %dma_wait3A_91] : memref<10240x128xf32, #tpu.memory_space<hbm>> -> memref<80x128xf32, #tpu.memory_space<hbm>>
      tpu.wait_dma2 semaphore(%run_scoped3A_85 : memref<!tpu.dma_semaphore, #tpu.memory_space<semaphore_mem>>) src(%arg10 : memref<80x128xf32, #tpu.memory_space<vmem>>) dst(%dma_wait3A_92 : memref<80x128xf32, #tpu.memory_space<hbm>>)
      tpu.yield
    }) : () -> ()
    %mul3A_58 = arith.constant 320 : i32
    %mul3A_59 = arith.muli %arg1, %mul3A_58 : i32
    %add3A_60 = arith.constant 80 : i32
    %add3A_61 = arith.addi %mul3A_59, %add3A_60 : i32
    "tpu.region"() ({
      %run_scoped3A_85 = tpu.sem_alloc : memref<!tpu.dma_semaphore, #tpu.memory_space<semaphore_mem>>
      %dma_start3A_86 = arith.constant 0 : i32
      %dma_start3A_87 = tpu.memref_slice %arg12[%add3A_61, %dma_start3A_86] : memref<5128x128xf32, #tpu.memory_space<vmem_shared>> -> memref<80x128xf32, #tpu.memory_space<vmem_shared>>
      %dma_start3A_88 = arith.constant 0 : i32
      %dma_start3A_89 = tpu.memref_slice %arg12[%add3A_61, %dma_start3A_88] : memref<5128x128xf32, #tpu.memory_space<vmem_shared>> -> memref<80x128xf32, #tpu.memory_space<vmem_shared>>
      tpu.enqueue_dma source(%dma_start3A_89 : memref<80x128xf32, #tpu.memory_space<vmem_shared>>) target(%arg10 : memref<80x128xf32, #tpu.memory_space<vmem>>) target_semaphore(%run_scoped3A_85 : memref<!tpu.dma_semaphore, #tpu.memory_space<semaphore_mem>>)
      %dma_wait3A = arith.constant 0 : i32
      %dma_wait3A_90 = tpu.memref_slice %arg12[%add3A_61, %dma_wait3A] : memref<5128x128xf32, #tpu.memory_space<vmem_shared>> -> memref<80x128xf32, #tpu.memory_space<vmem_shared>>
      %dma_wait3A_91 = arith.constant 0 : i32
      %dma_wait3A_92 = tpu.memref_slice %arg12[%add3A_61, %dma_wait3A_91] : memref<5128x128xf32, #tpu.memory_space<vmem_shared>> -> memref<80x128xf32, #tpu.memory_space<vmem_shared>>
      tpu.wait_dma2 semaphore(%run_scoped3A_85 : memref<!tpu.dma_semaphore, #tpu.memory_space<semaphore_mem>>) src(%dma_wait3A_92 : memref<80x128xf32, #tpu.memory_space<vmem_shared>>) dst(%arg10 : memref<80x128xf32, #tpu.memory_space<vmem>>)
      tpu.yield
    }) : () -> ()
    %mul3A_62 = arith.constant 320 : i32
    %mul3A_63 = arith.muli %arg1, %mul3A_62 : i32
    %add3A_64 = arith.addi %mul3A_0, %mul3A_63 : i32
    %add3A_65 = arith.constant 80 : i32
    %add3A_66 = arith.addi %add3A_64, %add3A_65 : i32
    "tpu.region"() ({
      %run_scoped3A_85 = tpu.sem_alloc : memref<!tpu.dma_semaphore, #tpu.memory_space<semaphore_mem>>
      %dma_start3A_86 = arith.constant 0 : i32
      %dma_start3A_87 = tpu.memref_slice %arg5[%add3A_66, %dma_start3A_86] : memref<10240x128xf32, #tpu.memory_space<hbm>> -> memref<80x128xf32, #tpu.memory_space<hbm>>
      %dma_start3A_88 = arith.constant 0 : i32
      %dma_start3A_89 = tpu.memref_slice %arg5[%add3A_66, %dma_start3A_88] : memref<10240x128xf32, #tpu.memory_space<hbm>> -> memref<80x128xf32, #tpu.memory_space<hbm>>
      tpu.enqueue_dma source(%arg10 : memref<80x128xf32, #tpu.memory_space<vmem>>) target(%dma_start3A_89 : memref<80x128xf32, #tpu.memory_space<hbm>>) target_semaphore(%run_scoped3A_85 : memref<!tpu.dma_semaphore, #tpu.memory_space<semaphore_mem>>)
      %dma_wait3A = arith.constant 0 : i32
      %dma_wait3A_90 = tpu.memref_slice %arg5[%add3A_66, %dma_wait3A] : memref<10240x128xf32, #tpu.memory_space<hbm>> -> memref<80x128xf32, #tpu.memory_space<hbm>>
      %dma_wait3A_91 = arith.constant 0 : i32
      %dma_wait3A_92 = tpu.memref_slice %arg5[%add3A_66, %dma_wait3A_91] : memref<10240x128xf32, #tpu.memory_space<hbm>> -> memref<80x128xf32, #tpu.memory_space<hbm>>
      tpu.wait_dma2 semaphore(%run_scoped3A_85 : memref<!tpu.dma_semaphore, #tpu.memory_space<semaphore_mem>>) src(%arg10 : memref<80x128xf32, #tpu.memory_space<vmem>>) dst(%dma_wait3A_92 : memref<80x128xf32, #tpu.memory_space<hbm>>)
      tpu.yield
    }) : () -> ()
    %mul3A_67 = arith.constant 320 : i32
    %mul3A_68 = arith.muli %arg1, %mul3A_67 : i32
    %add3A_69 = arith.constant 160 : i32
    %add3A_70 = arith.addi %mul3A_68, %add3A_69 : i32
    "tpu.region"() ({
      %run_scoped3A_85 = tpu.sem_alloc : memref<!tpu.dma_semaphore, #tpu.memory_space<semaphore_mem>>
      %dma_start3A_86 = arith.constant 0 : i32
      %dma_start3A_87 = tpu.memref_slice %arg12[%add3A_70, %dma_start3A_86] : memref<5128x128xf32, #tpu.memory_space<vmem_shared>> -> memref<80x128xf32, #tpu.memory_space<vmem_shared>>
      %dma_start3A_88 = arith.constant 0 : i32
      %dma_start3A_89 = tpu.memref_slice %arg12[%add3A_70, %dma_start3A_88] : memref<5128x128xf32, #tpu.memory_space<vmem_shared>> -> memref<80x128xf32, #tpu.memory_space<vmem_shared>>
      tpu.enqueue_dma source(%dma_start3A_89 : memref<80x128xf32, #tpu.memory_space<vmem_shared>>) target(%arg10 : memref<80x128xf32, #tpu.memory_space<vmem>>) target_semaphore(%run_scoped3A_85 : memref<!tpu.dma_semaphore, #tpu.memory_space<semaphore_mem>>)
      %dma_wait3A = arith.constant 0 : i32
      %dma_wait3A_90 = tpu.memref_slice %arg12[%add3A_70, %dma_wait3A] : memref<5128x128xf32, #tpu.memory_space<vmem_shared>> -> memref<80x128xf32, #tpu.memory_space<vmem_shared>>
      %dma_wait3A_91 = arith.constant 0 : i32
      %dma_wait3A_92 = tpu.memref_slice %arg12[%add3A_70, %dma_wait3A_91] : memref<5128x128xf32, #tpu.memory_space<vmem_shared>> -> memref<80x128xf32, #tpu.memory_space<vmem_shared>>
      tpu.wait_dma2 semaphore(%run_scoped3A_85 : memref<!tpu.dma_semaphore, #tpu.memory_space<semaphore_mem>>) src(%dma_wait3A_92 : memref<80x128xf32, #tpu.memory_space<vmem_shared>>) dst(%arg10 : memref<80x128xf32, #tpu.memory_space<vmem>>)
      tpu.yield
    }) : () -> ()
    %mul3A_71 = arith.constant 320 : i32
    %mul3A_72 = arith.muli %arg1, %mul3A_71 : i32
    %add3A_73 = arith.addi %mul3A_0, %mul3A_72 : i32
    %add3A_74 = arith.constant 160 : i32
    %add3A_75 = arith.addi %add3A_73, %add3A_74 : i32
    "tpu.region"() ({
      %run_scoped3A_85 = tpu.sem_alloc : memref<!tpu.dma_semaphore, #tpu.memory_space<semaphore_mem>>
      %dma_start3A_86 = arith.constant 0 : i32
      %dma_start3A_87 = tpu.memref_slice %arg5[%add3A_75, %dma_start3A_86] : memref<10240x128xf32, #tpu.memory_space<hbm>> -> memref<80x128xf32, #tpu.memory_space<hbm>>
      %dma_start3A_88 = arith.constant 0 : i32
      %dma_start3A_89 = tpu.memref_slice %arg5[%add3A_75, %dma_start3A_88] : memref<10240x128xf32, #tpu.memory_space<hbm>> -> memref<80x128xf32, #tpu.memory_space<hbm>>
      tpu.enqueue_dma source(%arg10 : memref<80x128xf32, #tpu.memory_space<vmem>>) target(%dma_start3A_89 : memref<80x128xf32, #tpu.memory_space<hbm>>) target_semaphore(%run_scoped3A_85 : memref<!tpu.dma_semaphore, #tpu.memory_space<semaphore_mem>>)
      %dma_wait3A = arith.constant 0 : i32
      %dma_wait3A_90 = tpu.memref_slice %arg5[%add3A_75, %dma_wait3A] : memref<10240x128xf32, #tpu.memory_space<hbm>> -> memref<80x128xf32, #tpu.memory_space<hbm>>
      %dma_wait3A_91 = arith.constant 0 : i32
      %dma_wait3A_92 = tpu.memref_slice %arg5[%add3A_75, %dma_wait3A_91] : memref<10240x128xf32, #tpu.memory_space<hbm>> -> memref<80x128xf32, #tpu.memory_space<hbm>>
      tpu.wait_dma2 semaphore(%run_scoped3A_85 : memref<!tpu.dma_semaphore, #tpu.memory_space<semaphore_mem>>) src(%arg10 : memref<80x128xf32, #tpu.memory_space<vmem>>) dst(%dma_wait3A_92 : memref<80x128xf32, #tpu.memory_space<hbm>>)
      tpu.yield
    }) : () -> ()
    %mul3A_76 = arith.constant 320 : i32
    %mul3A_77 = arith.muli %arg1, %mul3A_76 : i32
    %add3A_78 = arith.constant 240 : i32
    %add3A_79 = arith.addi %mul3A_77, %add3A_78 : i32
    "tpu.region"() ({
      %run_scoped3A_85 = tpu.sem_alloc : memref<!tpu.dma_semaphore, #tpu.memory_space<semaphore_mem>>
      %dma_start3A_86 = arith.constant 0 : i32
      %dma_start3A_87 = tpu.memref_slice %arg12[%add3A_79, %dma_start3A_86] : memref<5128x128xf32, #tpu.memory_space<vmem_shared>> -> memref<80x128xf32, #tpu.memory_space<vmem_shared>>
      %dma_start3A_88 = arith.constant 0 : i32
      %dma_start3A_89 = tpu.memref_slice %arg12[%add3A_79, %dma_start3A_88] : memref<5128x128xf32, #tpu.memory_space<vmem_shared>> -> memref<80x128xf32, #tpu.memory_space<vmem_shared>>
      tpu.enqueue_dma source(%dma_start3A_89 : memref<80x128xf32, #tpu.memory_space<vmem_shared>>) target(%arg10 : memref<80x128xf32, #tpu.memory_space<vmem>>) target_semaphore(%run_scoped3A_85 : memref<!tpu.dma_semaphore, #tpu.memory_space<semaphore_mem>>)
      %dma_wait3A = arith.constant 0 : i32
      %dma_wait3A_90 = tpu.memref_slice %arg12[%add3A_79, %dma_wait3A] : memref<5128x128xf32, #tpu.memory_space<vmem_shared>> -> memref<80x128xf32, #tpu.memory_space<vmem_shared>>
      %dma_wait3A_91 = arith.constant 0 : i32
      %dma_wait3A_92 = tpu.memref_slice %arg12[%add3A_79, %dma_wait3A_91] : memref<5128x128xf32, #tpu.memory_space<vmem_shared>> -> memref<80x128xf32, #tpu.memory_space<vmem_shared>>
      tpu.wait_dma2 semaphore(%run_scoped3A_85 : memref<!tpu.dma_semaphore, #tpu.memory_space<semaphore_mem>>) src(%dma_wait3A_92 : memref<80x128xf32, #tpu.memory_space<vmem_shared>>) dst(%arg10 : memref<80x128xf32, #tpu.memory_space<vmem>>)
      tpu.yield
    }) : () -> ()
    %mul3A_80 = arith.constant 320 : i32
    %mul3A_81 = arith.muli %arg1, %mul3A_80 : i32
    %add3A_82 = arith.addi %mul3A_0, %mul3A_81 : i32
    %add3A_83 = arith.constant 240 : i32
    %add3A_84 = arith.addi %add3A_82, %add3A_83 : i32
    "tpu.region"() ({
      %run_scoped3A_85 = tpu.sem_alloc : memref<!tpu.dma_semaphore, #tpu.memory_space<semaphore_mem>>
      %dma_start3A_86 = arith.constant 0 : i32
      %dma_start3A_87 = tpu.memref_slice %arg5[%add3A_84, %dma_start3A_86] : memref<10240x128xf32, #tpu.memory_space<hbm>> -> memref<80x128xf32, #tpu.memory_space<hbm>>
      %dma_start3A_88 = arith.constant 0 : i32
      %dma_start3A_89 = tpu.memref_slice %arg5[%add3A_84, %dma_start3A_88] : memref<10240x128xf32, #tpu.memory_space<hbm>> -> memref<80x128xf32, #tpu.memory_space<hbm>>
      tpu.enqueue_dma source(%arg10 : memref<80x128xf32, #tpu.memory_space<vmem>>) target(%dma_start3A_89 : memref<80x128xf32, #tpu.memory_space<hbm>>) target_semaphore(%run_scoped3A_85 : memref<!tpu.dma_semaphore, #tpu.memory_space<semaphore_mem>>)
      %dma_wait3A = arith.constant 0 : i32
      %dma_wait3A_90 = tpu.memref_slice %arg5[%add3A_84, %dma_wait3A] : memref<10240x128xf32, #tpu.memory_space<hbm>> -> memref<80x128xf32, #tpu.memory_space<hbm>>
      %dma_wait3A_91 = arith.constant 0 : i32
      %dma_wait3A_92 = tpu.memref_slice %arg5[%add3A_84, %dma_wait3A_91] : memref<10240x128xf32, #tpu.memory_space<hbm>> -> memref<80x128xf32, #tpu.memory_space<hbm>>
      tpu.wait_dma2 semaphore(%run_scoped3A_85 : memref<!tpu.dma_semaphore, #tpu.memory_space<semaphore_mem>>) src(%arg10 : memref<80x128xf32, #tpu.memory_space<vmem>>) dst(%dma_wait3A_92 : memref<80x128xf32, #tpu.memory_space<hbm>>)
      tpu.yield
    }) : () -> ()
    return
  }
}

module attributes {stable_mosaic.version = 14 : i64} {
  func.func @_locidx_body(%arg0: i32, %arg1: memref<2500x128xi32, #tpu.memory_space<vmem>>, %arg2: memref<2500x128xi32, #tpu.memory_space<vmem>>, %arg3: memref<2500x128xi32, #tpu.memory_space<vmem>>) attributes {dimension_semantics = [#tpu.dimension_semantics<arbitrary>], iteration_bounds = array<i64: 1>, scalar_prefetch = 0 : i64, scratch_operands = 0 : i64, tpu.core_type = #tpu.core_type<tc>, window_params = [{transform_indices = @transform_0, window_bounds = array<i64: 2500, 128>}, {transform_indices = @transform_1, window_bounds = array<i64: 2500, 128>}, {transform_indices = @transform_2, window_bounds = array<i64: 2500, 128>}]} {
    %get3A = arith.constant 0 : index
    %get3A_0 = arith.constant 0 : index
    %get3A_1 = vector.load %arg1[%get3A, %get3A_0] : memref<2500x128xi32, #tpu.memory_space<vmem>>, vector<2500x128xi32>
    %and3A = arith.constant 7 : i32
    %and3A_2 = vector.broadcast %and3A : i32 to vector<2500x128xi32>
    %and3A_3 = arith.andi %get3A_1, %and3A_2 : vector<2500x128xi32>
    %add3A = arith.constant 5120 : i32
    %add3A_4 = vector.broadcast %add3A : i32 to vector<2500x128xi32>
    %add3A_5 = arith.addi %add3A_4, %and3A_3 : vector<2500x128xi32>
    %lt3A = arith.constant 5120 : i32
    %lt3A_6 = vector.broadcast %lt3A : i32 to vector<2500x128xi32>
    %lt3A_7 = arith.cmpi slt, %get3A_1, %lt3A_6 : vector<2500x128xi32>
    %select_n3A = arith.select %lt3A_7, %get3A_1, %add3A_5 : vector<2500x128xi1>, vector<2500x128xi32>
    %swap3A = arith.constant 0 : index
    %swap3A_8 = arith.constant 0 : index
    %swap3A_9 = vector.load %arg2[%swap3A, %swap3A_8] : memref<2500x128xi32, #tpu.memory_space<vmem>>, vector<2500x128xi32>
    tpu.vector_store %arg2[%swap3A, %swap3A_8], %select_n3A {strides = array<i32>} : memref<2500x128xi32, #tpu.memory_space<vmem>>, vector<2500x128xi32>,
    %ge3A = arith.constant 5120 : i32
    %ge3A_10 = vector.broadcast %ge3A : i32 to vector<2500x128xi32>
    %ge3A_11 = arith.cmpi sge, %get3A_1, %ge3A_10 : vector<2500x128xi32>
    %sub3A = arith.constant 5120 : i32
    %sub3A_12 = vector.broadcast %sub3A : i32 to vector<2500x128xi32>
    %sub3A_13 = arith.subi %get3A_1, %sub3A_12 : vector<2500x128xi32>
    %select_n3A_14 = arith.select %ge3A_11, %sub3A_13, %add3A_5 : vector<2500x128xi1>, vector<2500x128xi32>
    %swap3A_15 = arith.constant 0 : index
    %swap3A_16 = arith.constant 0 : index
    %swap3A_17 = vector.load %arg3[%swap3A_15, %swap3A_16] : memref<2500x128xi32, #tpu.memory_space<vmem>>, vector<2500x128xi32>
    tpu.vector_store %arg3[%swap3A_15, %swap3A_16], %select_n3A_14 {strides = array<i32>} : memref<2500x128xi32, #tpu.memory_space<vmem>>, vector<2500x128xi32>,
    return
  }
  func.func @transform_0(%arg0: i32) -> (i32, i32) {
    %c0_i32 = arith.constant 0 : i32
    %c0_i32_0 = arith.constant 0 : i32
    return %arg0, %c0_i32 : i32, i32
  }
  func.func @transform_1(%arg0: i32) -> (i32, i32) {
    %c0_i32 = arith.constant 0 : i32
    %c0_i32_0 = arith.constant 0 : i32
    return %arg0, %c0_i32 : i32, i32
  }
  func.func @transform_2(%arg0: i32) -> (i32, i32) {
    %c0_i32 = arith.constant 0 : i32
    %c0_i32_0 = arith.constant 0 : i32
    return %arg0, %c0_i32 : i32, i32
  }
}

module attributes {stable_mosaic.version = 14 : i64} {
  func.func @_prep_body(%arg0: i32, %arg1: memref<1000x128xf32, #tpu.memory_space<vmem>>, %arg2: memref<128x128xf32, #tpu.memory_space<vmem>>, %arg3: memref<1000x1xf32, #tpu.memory_space<vmem>>, %arg4: memref<1000x128xf32, #tpu.memory_space<vmem>>, %arg5: memref<1000x1xf32, #tpu.memory_space<vmem>>, %arg6: memref<1000x1xf32, #tpu.memory_space<vmem>>) attributes {dimension_semantics = [#tpu.dimension_semantics<arbitrary>], iteration_bounds = array<i64: 10>, scalar_prefetch = 0 : i64, scratch_operands = 0 : i64, tpu.core_type = #tpu.core_type<tc>, window_params = [{transform_indices = @transform_0, window_bounds = array<i64: 1000, 128>}, {pipeline_mode = #tpu.pipeline_mode<synchronous>, transform_indices = @transform_1, window_bounds = array<i64: 128, 128>}, {transform_indices = @transform_2, window_bounds = array<i64: 1000, 1>}, {transform_indices = @transform_3, window_bounds = array<i64: 1000, 128>}, {transform_indices = @transform_4, window_bounds = array<i64: 1000, 1>}, {transform_indices = @transform_5, window_bounds = array<i64: 1000, 1>}]} {
    %get3A = arith.constant 0 : index
    %get3A_0 = arith.constant 0 : index
    %get3A_1 = vector.load %arg3[%get3A, %get3A_0] : memref<1000x1xf32, #tpu.memory_space<vmem>>, vector<1000x1xf32>
    %add3A = arith.constant 1.000000e+00 : f32
    %add3A_2 = vector.broadcast %add3A : f32 to vector<1000x1xf32>
    %add3A_3 = arith.addf %get3A_1, %add3A_2 : vector<1000x1xf32>
    %rsqrt3A = math.rsqrt %add3A_3 : vector<1000x1xf32>
    %get3A_4 = arith.constant 0 : index
    %get3A_5 = arith.constant 0 : index
    %get3A_6 = vector.load %arg1[%get3A_4, %get3A_5] : memref<1000x128xf32, #tpu.memory_space<vmem>>, vector<1000x128xf32>
    %get3A_7 = arith.constant 0 : index
    %get3A_8 = arith.constant 0 : index
    %get3A_9 = vector.load %arg2[%get3A_7, %get3A_8] : memref<128x128xf32, #tpu.memory_space<vmem>>, vector<128x128xf32>
    %dot_general3A = arith.constant dense<0.000000e+00> : vector<1000x128xf32>
    %dot_general3A_10 = tpu.matmul %get3A_6, %get3A_9, %dot_general3A {dimension_numbers = #tpu.dot_dimension_numbers<[1], [0], [0], [1], [0, 0, 1, 1], [], []>, transpose_lhs_hint = false} : vector<1000x128xf32>, vector<128x128xf32>, vector<1000x128xf32> -> vector<1000x128xf32>
    %mul3A = vector.broadcast %rsqrt3A : vector<1000x1xf32> to vector<1000x128xf32>
    %mul3A_11 = arith.mulf %mul3A, %dot_general3A_10 : vector<1000x128xf32>
    %swap3A = arith.constant 0 : index
    %swap3A_12 = arith.constant 0 : index
    %swap3A_13 = vector.load %arg4[%swap3A, %swap3A_12] : memref<1000x128xf32, #tpu.memory_space<vmem>>, vector<1000x128xf32>
    tpu.vector_store %arg4[%swap3A, %swap3A_12], %mul3A_11 {strides = array<i32>} : memref<1000x128xf32, #tpu.memory_space<vmem>>, vector<1000x128xf32>,
    %swap3A_14 = arith.constant 0 : index
    %swap3A_15 = arith.constant 0 : index
    %swap3A_16 = vector.load %arg5[%swap3A_14, %swap3A_15] : memref<1000x1xf32, #tpu.memory_space<vmem>>, vector<1000x1xf32>
    tpu.vector_store %arg5[%swap3A_14, %swap3A_15], %rsqrt3A {strides = array<i32>} : memref<1000x1xf32, #tpu.memory_space<vmem>>, vector<1000x1xf32>,
    %mul3A_17 = arith.mulf %rsqrt3A, %rsqrt3A : vector<1000x1xf32>
    %swap3A_18 = arith.constant 0 : index
    %swap3A_19 = arith.constant 0 : index
    %swap3A_20 = vector.load %arg6[%swap3A_18, %swap3A_19] : memref<1000x1xf32, #tpu.memory_space<vmem>>, vector<1000x1xf32>
    tpu.vector_store %arg6[%swap3A_18, %swap3A_19], %mul3A_17 {strides = array<i32>} : memref<1000x1xf32, #tpu.memory_space<vmem>>, vector<1000x1xf32>,
    return
  }
  func.func @transform_0(%arg0: i32) -> (i32, i32) {
    %c0_i32 = arith.constant 0 : i32
    %c0_i32_0 = arith.constant 0 : i32
    return %arg0, %c0_i32 : i32, i32
  }
  func.func @transform_1(%arg0: i32) -> (i32, i32) {
    %c0_i32 = arith.constant 0 : i32
    %c0_i32_0 = arith.constant 0 : i32
    %c0_i32_1 = arith.constant 0 : i32
    return %c0_i32, %c0_i32_0 : i32, i32
  }
  func.func @transform_2(%arg0: i32) -> (i32, i32) {
    %c0_i32 = arith.constant 0 : i32
    %c0_i32_0 = arith.constant 0 : i32
    return %arg0, %c0_i32 : i32, i32
  }
  func.func @transform_3(%arg0: i32) -> (i32, i32) {
    %c0_i32 = arith.constant 0 : i32
    %c0_i32_0 = arith.constant 0 : i32
    return %arg0, %c0_i32 : i32, i32
  }
  func.func @transform_4(%arg0: i32) -> (i32, i32) {
    %c0_i32 = arith.constant 0 : i32
    %c0_i32_0 = arith.constant 0 : i32
    return %arg0, %c0_i32 : i32, i32
  }
  func.func @transform_5(%arg0: i32) -> (i32, i32) {
    %c0_i32 = arith.constant 0 : i32
    %c0_i32_0 = arith.constant 0 : i32
    return %arg0, %c0_i32 : i32, i32
  }
}

module attributes {stable_mosaic.version = 14 : i64} {
  func.func @_combine_body(%arg0: i32, %arg1: memref<1000x128xf32, #tpu.memory_space<vmem>>, %arg2: memref<1000x128xf32, #tpu.memory_space<vmem>>, %arg3: memref<1000x1xf32, #tpu.memory_space<vmem>>, %arg4: memref<1000x1xf32, #tpu.memory_space<vmem>>, %arg5: memref<1x128xf32, #tpu.memory_space<vmem>>, %arg6: memref<128x128xf32, #tpu.memory_space<vmem>>, %arg7: memref<1x4xf32, #tpu.memory_space<vmem>>, %arg8: memref<1000x128xf32, #tpu.memory_space<vmem>>) attributes {dimension_semantics = [#tpu.dimension_semantics<arbitrary>], iteration_bounds = array<i64: 10>, scalar_prefetch = 0 : i64, scratch_operands = 0 : i64, tpu.core_type = #tpu.core_type<tc>, window_params = [{transform_indices = @transform_0, window_bounds = array<i64: 1000, 128>}, {transform_indices = @transform_1, window_bounds = array<i64: 1000, 128>}, {transform_indices = @transform_2, window_bounds = array<i64: 1000, 1>}, {transform_indices = @transform_3, window_bounds = array<i64: 1000, 1>}, {pipeline_mode = #tpu.pipeline_mode<synchronous>, transform_indices = @transform_4, window_bounds = array<i64: 1, 128>}, {pipeline_mode = #tpu.pipeline_mode<synchronous>, transform_indices = @transform_5, window_bounds = array<i64: 128, 128>}, {pipeline_mode = #tpu.pipeline_mode<synchronous>, transform_indices = @transform_6, window_bounds = array<i64: 1, 4>}, {transform_indices = @transform_7, window_bounds = array<i64: 1000, 128>}]} {
    %get3A = arith.constant 0 : index
    %get3A_0 = arith.constant 0 : index
    %get3A_1 = vector.load %arg1[%get3A, %get3A_0] : memref<1000x128xf32, #tpu.memory_space<vmem>>, vector<1000x128xf32>
    %get3A_2 = arith.constant 0 : index
    %get3A_3 = arith.constant 0 : index
    %get3A_4 = vector.load %arg2[%get3A_2, %get3A_3] : memref<1000x128xf32, #tpu.memory_space<vmem>>, vector<1000x128xf32>
    %add3A = arith.addf %get3A_1, %get3A_4 : vector<1000x128xf32>
    %get3A_5 = arith.constant 0 : index
    %get3A_6 = arith.constant 0 : index
    %get3A_7 = vector.load %arg7[%get3A_5, %get3A_6] : memref<1x4xf32, #tpu.memory_space<vmem>>, vector<1x1xf32>
    %get3A_8 = vector.extract %get3A_7[0, 0] : f32 from vector<1x1xf32>
    %gt3A = arith.constant 0.000000e+00 : f32
    %gt3A_9 = arith.cmpf ogt, %get3A_8, %gt3A : f32
    %get3A_10 = arith.constant 0 : index
    %get3A_11 = arith.constant 0 : index
    %get3A_12 = vector.load %arg4[%get3A_10, %get3A_11] : memref<1000x1xf32, #tpu.memory_space<vmem>>, vector<1000x1xf32>
    %mul3A = vector.broadcast %get3A_12 : vector<1000x1xf32> to vector<1000x128xf32>
    %mul3A_13 = arith.mulf %mul3A, %add3A : vector<1000x128xf32>
    %get3A_14 = arith.constant 0 : index
    %get3A_15 = arith.constant 0 : index
    %get3A_16 = vector.load %arg3[%get3A_14, %get3A_15] : memref<1000x1xf32, #tpu.memory_space<vmem>>, vector<1000x1xf32>
    %mul3A_17 = vector.broadcast %get3A_16 : vector<1000x1xf32> to vector<1000x128xf32>
    %mul3A_18 = arith.mulf %mul3A_17, %add3A : vector<1000x128xf32>
    %get3A_19 = arith.constant 0 : index
    %get3A_20 = arith.constant 0 : index
    %get3A_21 = vector.load %arg5[%get3A_19, %get3A_20] : memref<1x128xf32, #tpu.memory_space<vmem>>, vector<1x128xf32>
    %add3A_22 = vector.broadcast %get3A_21 : vector<1x128xf32> to vector<1000x128xf32>
    %add3A_23 = arith.addf %mul3A_18, %add3A_22 : vector<1000x128xf32>
    %select_n3A = arith.select %gt3A_9, %mul3A_13, %add3A_23 : vector<1000x128xf32>
    %get3A_24 = arith.constant 0 : index
    %get3A_25 = arith.constant 1 : index
    %get3A_26 = vector.load %arg7[%get3A_24, %get3A_25] : memref<1x4xf32, #tpu.memory_space<vmem>>, vector<1x1xf32>
    %get3A_27 = vector.extract %get3A_26[0, 0] : f32 from vector<1x1xf32>
    %gt3A_28 = arith.constant 0.000000e+00 : f32
    %gt3A_29 = arith.cmpf ogt, %get3A_27, %gt3A_28 : f32
    %max3A = arith.constant 0.000000e+00 : f32
    %max3A_30 = vector.broadcast %max3A : f32 to vector<1000x128xf32>
    %max3A_31 = arith.maximumf %select_n3A, %max3A_30 : vector<1000x128xf32>
    %select_n3A_32 = arith.select %gt3A_29, %max3A_31, %select_n3A : vector<1000x128xf32>
    %get3A_33 = arith.constant 0 : index
    %get3A_34 = arith.constant 0 : index
    %get3A_35 = vector.load %arg3[%get3A_33, %get3A_34] : memref<1000x1xf32, #tpu.memory_space<vmem>>, vector<1000x1xf32>
    %get3A_36 = arith.constant 0 : index
    %get3A_37 = arith.constant 0 : index
    %get3A_38 = vector.load %arg6[%get3A_36, %get3A_37] : memref<128x128xf32, #tpu.memory_space<vmem>>, vector<128x128xf32>
    %dot_general3A = arith.constant dense<0.000000e+00> : vector<1000x128xf32>
    %dot_general3A_39 = tpu.matmul %select_n3A_32, %get3A_38, %dot_general3A {dimension_numbers = #tpu.dot_dimension_numbers<[1], [0], [0], [1], [0, 0, 1, 1], [], []>, transpose_lhs_hint = false} : vector<1000x128xf32>, vector<128x128xf32>, vector<1000x128xf32> -> vector<1000x128xf32>
    %mul3A_40 = vector.broadcast %get3A_35 : vector<1000x1xf32> to vector<1000x128xf32>
    %mul3A_41 = arith.mulf %mul3A_40, %dot_general3A_39 : vector<1000x128xf32>
    %get3A_42 = arith.constant 0 : index
    %get3A_43 = arith.constant 2 : index
    %get3A_44 = vector.load %arg7[%get3A_42, %get3A_43] : memref<1x4xf32, #tpu.memory_space<vmem>>, vector<1x1xf32>
    %get3A_45 = vector.extract %get3A_44[0, 0] : f32 from vector<1x1xf32>
    %gt3A_46 = arith.constant 0.000000e+00 : f32
    %gt3A_47 = arith.cmpf ogt, %get3A_45, %gt3A_46 : f32
    %select_n3A_48 = arith.select %gt3A_47, %mul3A_41, %select_n3A_32 : vector<1000x128xf32>
    %swap3A = arith.constant 0 : index
    %swap3A_49 = arith.constant 0 : index
    %swap3A_50 = vector.load %arg8[%swap3A, %swap3A_49] : memref<1000x128xf32, #tpu.memory_space<vmem>>, vector<1000x128xf32>
    tpu.vector_store %arg8[%swap3A, %swap3A_49], %select_n3A_48 {strides = array<i32>} : memref<1000x128xf32, #tpu.memory_space<vmem>>, vector<1000x128xf32>,
    return
  }
  func.func @transform_0(%arg0: i32) -> (i32, i32) {
    %c0_i32 = arith.constant 0 : i32
    %c0_i32_0 = arith.constant 0 : i32
    return %arg0, %c0_i32 : i32, i32
  }
  func.func @transform_1(%arg0: i32) -> (i32, i32) {
    %c0_i32 = arith.constant 0 : i32
    %c0_i32_0 = arith.constant 0 : i32
    return %arg0, %c0_i32 : i32, i32
  }
  func.func @transform_2(%arg0: i32) -> (i32, i32) {
    %c0_i32 = arith.constant 0 : i32
    %c0_i32_0 = arith.constant 0 : i32
    return %arg0, %c0_i32 : i32, i32
  }
  func.func @transform_3(%arg0: i32) -> (i32, i32) {
    %c0_i32 = arith.constant 0 : i32
    %c0_i32_0 = arith.constant 0 : i32
    return %arg0, %c0_i32 : i32, i32
  }
  func.func @transform_4(%arg0: i32) -> (i32, i32) {
    %c0_i32 = arith.constant 0 : i32
    %c0_i32_0 = arith.constant 0 : i32
    %c0_i32_1 = arith.constant 0 : i32
    return %c0_i32, %c0_i32_0 : i32, i32
  }
  func.func @transform_5(%arg0: i32) -> (i32, i32) {
    %c0_i32 = arith.constant 0 : i32
    %c0_i32_0 = arith.constant 0 : i32
    %c0_i32_1 = arith.constant 0 : i32
    return %c0_i32, %c0_i32_0 : i32, i32
  }
  func.func @transform_6(%arg0: i32) -> (i32, i32) {
    %c0_i32 = arith.constant 0 : i32
    %c0_i32_0 = arith.constant 0 : i32
    %c0_i32_1 = arith.constant 0 : i32
    return %c0_i32, %c0_i32_0 : i32, i32
  }
  func.func @transform_7(%arg0: i32) -> (i32, i32) {
    %c0_i32 = arith.constant 0 : i32
    %c0_i32_0 = arith.constant 0 : i32
    return %arg0, %c0_i32 : i32, i32
  }
}

module attributes {stable_mosaic.version = 14 : i64} {
  func.func @_final_body(%arg0: i32, %arg1: memref<1000x64xf32, #tpu.memory_space<vmem>>, %arg2: memref<1000x64xf32, #tpu.memory_space<vmem>>) attributes {dimension_semantics = [#tpu.dimension_semantics<arbitrary>], iteration_bounds = array<i64: 10>, scalar_prefetch = 0 : i64, scratch_operands = 0 : i64, tpu.core_type = #tpu.core_type<tc>, window_params = [{transform_indices = @transform_0, window_bounds = array<i64: 1000, 64>}, {transform_indices = @transform_1, window_bounds = array<i64: 1000, 64>}]} {
    %get3A = arith.constant 0 : index
    %get3A_0 = arith.constant 0 : index
    %get3A_1 = vector.load %arg1[%get3A, %get3A_0] : memref<1000x64xf32, #tpu.memory_space<vmem>>, vector<1000x64xf32>
    %reduce_max3A = arith.constant dense<0xFF800000> : vector<1000xf32>
    %reduce_max3A_2 = vector.multi_reduction <maximumf>, %get3A_1, %reduce_max3A [1] : vector<1000x64xf32> to vector<1000xf32>
    %broadcast_in_dim3A = vector.shape_cast %reduce_max3A_2 : vector<1000xf32> to vector<1000x1xf32>
    %sub3A = vector.broadcast %broadcast_in_dim3A : vector<1000x1xf32> to vector<1000x64xf32>
    %sub3A_3 = arith.subf %get3A_1, %sub3A : vector<1000x64xf32>
    %exp3A = math.exp %sub3A_3 : vector<1000x64xf32>
    %reduce_sum3A = arith.constant dense<0.000000e+00> : vector<1000xf32>
    %reduce_sum3A_4 = vector.multi_reduction <add>, %exp3A, %reduce_sum3A [1] : vector<1000x64xf32> to vector<1000xf32>
    %broadcast_in_dim3A_5 = vector.shape_cast %reduce_sum3A_4 : vector<1000xf32> to vector<1000x1xf32>
    %log3A = math.log %broadcast_in_dim3A_5 : vector<1000x1xf32>
    %sub3A_6 = vector.broadcast %broadcast_in_dim3A : vector<1000x1xf32> to vector<1000x64xf32>
    %sub3A_7 = arith.subf %get3A_1, %sub3A_6 : vector<1000x64xf32>
    %sub3A_8 = vector.broadcast %log3A : vector<1000x1xf32> to vector<1000x64xf32>
    %sub3A_9 = arith.subf %sub3A_7, %sub3A_8 : vector<1000x64xf32>
    %swap3A = arith.constant 0 : index
    %swap3A_10 = arith.constant 0 : index
    %swap3A_11 = vector.load %arg2[%swap3A, %swap3A_10] : memref<1000x64xf32, #tpu.memory_space<vmem>>, vector<1000x64xf32>
    tpu.vector_store %arg2[%swap3A, %swap3A_10], %sub3A_9 {strides = array<i32>} : memref<1000x64xf32, #tpu.memory_space<vmem>>, vector<1000x64xf32>,
    return
  }
  func.func @transform_0(%arg0: i32) -> (i32, i32) {
    %c0_i32 = arith.constant 0 : i32
    %c0_i32_0 = arith.constant 0 : i32
    return %arg0, %c0_i32 : i32, i32
  }
  func.func @transform_1(%arg0: i32) -> (i32, i32) {
    %c0_i32 = arith.constant 0 : i32
    %c0_i32_0 = arith.constant 0 : i32
    return %arg0, %c0_i32 : i32, i32
  }
}

</mosaic_0001>

<sc_bundles>
// kernel: closed_call.9.cloned.1.call-start
scs
__scs_entry_jumppad:
0x0: {  	(pc) =	sbr.rel $0x88, $3  }
0x1: {  	(tag) =	ssettag $0x0;
	lr =	simm.s32 $0x1  }
0x2: {  	[smem:$0x3F99] =	sst lr;
	_ =	strace $0xD0000000  }
0x3: {  	_ = 	snop  }
0x4: {  	_ = 	snop  }
0x5: {  	_ = 	snop  }
0x6: {  	_ = 	snop  }
0x7: {  	_ = 	snop  }
__scs_overlays_trampoline_lowered:
0x8: {  	[smem:$0x3FA8] =	sst s0  }
0x9: {  	[smem:$0x3FA9] =	sst s1  }
0xa: {  	[smem:$0x3FAA] =	sst s2  }
0xb: {  	[smem:$0x3FAB] =	sst s3  }
0xc: {  	[smem:$0x3FAC] =	sst s4  }
0xd: {  	[smem:$0x3FAD] =	sst s5  }
0xe: {  	[smem:$0x3FAE] =	sst s6  }
0xf: {  	[smem:$0x3FAF] =	sst s7  }
0x10: {  	[smem:$0x3FB0] =	sst s8  }
0x11: {  	[smem:$0x3FB1] =	sst s9;
	s0 =	simm.s32 @!p0 $0x0  }
0x12: {  	s1 =	sld [smem:$0x3F97];
	s0 =	simm.s32 @p0 $0x1  }
0x13: {  	[smem:$0x3FB2] =	sst s0;
	s0 =	simm.s32 @!p1 $0x0  }
0x14: {  	s2 =	sld [smem:$0x3F96];
	s0 =	simm.s32 @p1 $0x1  }
0x15: {  	[smem:$0x3FB3] =	sst s0;
	s0 =	simm.s32 @!p2 $0x0  }
0x16: {  	s3 =	sld [smem:$0x3FDB];
	s0 =	simm.s32 @p2 $0x1  }
0x17: {  	s4 =	simm.s32 $0x1BF5;
	[smem:$0x3FB5] =	sst s0  }
0x18: {  	s0 =	sld [smem:$0x3F98];
	_ =	swait.ge [sflag:s4], $0x0  }
0x19: {  	s7 =	sld [smem:$0x3F99]  }
0x1a: {  	s8 =	sadd.s32 $0xFFFFE003, lr  }
0x1b: {  	s9 =	sadd.s32 $0xFFFFFEF7, lr;
	s5 =	simm.s32 $0xFFFFFFFF;
	p2 =	slt.u32 s8, $0xFFFFF086  }
0x1c: {  	p1 =	slt.u32 s9, $0xF7A;
	s5 =	simm.s32 @!p2 $0x0  }
0x1d: {  	s5 =	simm.s32 @p1 $0x1;
	p0 =	seq.s32 s7, s2  }
0x1e: {  	s7 =	smul.u32 @!p0 $0xF7A, s2;
	p2 =	seq.s32 @!p0 s5, $0x0  }
0x1f: {  	s9 =	smul.u32 $0xF7A, s1;
	s8 =	simm.s32 @!p0 $0x1BF5;
	p2 =	por !p2, p0  }
0x20: {  	[sflag:s8] =	ssyncset.s32 @!p0 $0xFFFFF086;
	s6 =	sadd.s32 @!p0 s3, s7;
	s7 =	simm.s32 @!p0 $0x108  }
0x21: {  	s3 =	sadd.s32 s3, s9;
	s6 =	sadd.s32 @!p0 $0x88, s6;
	s7 =	simm.s32 @p2 $0x1082  }
0x22: {  	[simem:s7], [sflag:s8] =	dma.local @!p0 [hbm:s6], $0xF7A  }
0x23: {  	s9 =	sor.u32 $0xD0000000, s2;
	s6 =	simm.s32 $0x108;
	_ =	swait.ge @!p0 [sflag:s8], $0x0  }
0x24: {  	s3 =	sadd.s32 $0x88, s3;
	s6 =	simm.s32 @!p1 $0x1082;
	[sflag:s4] =	ssyncset.s32 $0xFFFFF086  }
0x25: {  	[simem:s6], [sflag:s4] =	dma.local [hbm:s3], $0xF7A  }
0x26: {  	[smem:$0x3F99] =	sst s1;
	(tag) =	ssettag s2;
	_ =	strace s9  }
0x27: {  	s1 =	sld [smem:$0x3FA9]  }
0x28: {  	s2 =	sld [smem:$0x3FAA]  }
0x29: {  	s4 =	sld [smem:$0x3FAC]  }
0x2a: {  	p0 =	seq.s32 s5, $0x0;
	s5 =	sld [smem:$0x3FAD]  }
0x2b: {  	s6 =	sld [smem:$0x3FAE]  }
0x2c: {  	s7 =	sld [smem:$0x3FAF]  }
0x2d: {  	s3 =	simm.s32 $0x108;
	s8 =	sld [smem:$0x3FB0]  }
0x2e: {  	s3 =	simm.s32 @!p0 $0x1082;
	s9 =	sld [smem:$0x3FB1]  }
0x2f: {  	lr =	sadd.s32 s0, s3;
	s0 =	sld [smem:$0x3FA8]  }
0x30: {  	s3 =	sld [smem:$0x3FAB]  }
0x31: {  	[smem:$0x3FB4] =	sst s10  }
0x32: {  	s10 =	sld [smem:$0x3FB2];
	_ =	sdelay $0x3  }
0x33: {  	p0 =	seq.s32 s10, $0x1;
	s10 =	sld [smem:$0x3FB4];
	_ =	sdelay $0x3  }
0x34: {  	[smem:$0x3FB4] =	sst s10  }
0x35: {  	s10 =	sld [smem:$0x3FB3];
	_ =	sdelay $0x3  }
0x36: {  	p1 =	seq.s32 s10, $0x1;
	s10 =	sld [smem:$0x3FB4];
	_ =	sdelay $0x3  }
0x37: {  	[smem:$0x3FB4] =	sst s10  }
0x38: {  	s10 =	sld [smem:$0x3FB5]  }
0x39: {  	_ = 	snop;
	(pc) =	sbr.ind lr, $3  }
0x3a: {  	_ = 	snop  }
0x3b: {  	_ = 	snop  }
0x3c: {  	p2 =	seq.s32 s10, $0x1;
	s10 =	sld [smem:$0x3FB4]  }
0x3d: {  	_ =	shalt  }
0x3e: {  	_ =	shalt  }
0x3f: {  	_ =	shalt  }
0x40: {  	_ =	shalt  }
0x41: {  	_ =	shalt  }
0x42: {  	_ =	shalt  }
0x43: {  	_ =	shalt  }
0x44: {  	_ =	shalt  }
0x45: {  	_ =	shalt  }
0x46: {  	_ =	shalt  }
0x47: {  	_ =	shalt  }
0x48: {  	_ =	shalt  }
0x49: {  	_ =	shalt  }
0x4a: {  	_ =	shalt  }
0x4b: {  	_ =	shalt  }
0x4c: {  	_ =	shalt  }
0x4d: {  	_ =	shalt  }
0x4e: {  	_ =	shalt  }
0x4f: {  	_ =	shalt  }
0x50: {  	_ =	shalt  }
0x51: {  	_ =	shalt  }
0x52: {  	_ =	shalt  }
0x53: {  	_ =	shalt  }
0x54: {  	_ =	shalt  }
0x55: {  	_ =	shalt  }
0x56: {  	_ =	shalt  }
0x57: {  	_ =	shalt  }
0x58: {  	_ =	shalt  }
0x59: {  	_ =	shalt  }
0x5a: {  	_ =	shalt  }
0x5b: {  	_ =	shalt  }
0x5c: {  	_ =	shalt  }
0x5d: {  	_ =	shalt  }
0x5e: {  	_ =	shalt  }
0x5f: {  	_ =	shalt  }
0x60: {  	_ =	shalt  }
0x61: {  	_ =	shalt  }
0x62: {  	_ =	shalt  }
0x63: {  	_ =	shalt  }
0x64: {  	_ =	shalt  }
0x65: {  	_ =	shalt  }
0x66: {  	_ =	shalt  }
0x67: {  	_ =	shalt  }
0x68: {  	_ =	shalt  }
0x69: {  	_ =	shalt  }
0x6a: {  	_ =	shalt  }
0x6b: {  	_ =	shalt  }
0x6c: {  	_ =	shalt  }
0x6d: {  	_ =	shalt  }
0x6e: {  	_ =	shalt  }
0x6f: {  	_ =	shalt  }
0x70: {  	_ =	shalt  }
0x71: {  	_ =	shalt  }
0x72: {  	_ =	shalt  }
0x73: {  	_ =	shalt  }
0x74: {  	_ =	shalt  }
0x75: {  	_ =	shalt  }
0x76: {  	_ =	shalt  }
0x77: {  	_ =	shalt  }
0x78: {  	_ =	shalt  }
0x79: {  	_ =	shalt  }
0x7a: {  	_ =	shalt  }
0x7b: {  	_ =	shalt  }
0x7c: {  	_ =	shalt  }
0x7d: {  	_ =	shalt  }
0x7e: {  	_ =	shalt  }
0x7f: {  	_ =	shalt  }
0x80: {  	_ =	shalt  }
0x81: {  	_ =	shalt  }
0x82: {  	_ =	shalt  }
0x83: {  	_ =	shalt  }
0x84: {  	_ =	shalt  }
0x85: {  	_ =	shalt  }
0x86: {  	_ =	shalt  }
0x87: {  	_ =	shalt  }
.Lfunc_end0:
.L_simem_size_0:
called_computation_lowered:
.L_overlay_start_0:
0x88: {  	s2 =	sld [smem:$0x3FD9]  }
0x89: {  	s3 =	sld [smem:$0x3FFE];
	_ =	sdelay $0x1  }
0x8a: {  	s1 =	srdreg.scid  }
0x8b: {  	s0 =	sand.u32 $0x1, s1  }
0x8c: {  	s17 =	sshll.u32 s0, $0xA;
	s2 =	sadd.s32 s3, s2  }
0x8d: {  	s2 =	sadd.s32 s2, s17  }
0x8e: {  	[smem:$0x3FC0] =	sst s2  }
0x8f: {  	_ = 	snop  }
0x90: {  	s2 =	sld [smem:$0x3FD0];
	(tm) =	ssettm $0x1  }
0x91: {  	s18 =	sld [smem:$0x3FFB];
	_ =	sdelay $0x3  }
0x92: {  	_ =	strace s18  }
0x93: {  	s3 =	sld [smem:$0x3FFC];
	_ =	sdelay $0x3  }
0x94: {  	_ =	strace s3  }
0x95: {  	s3 =	sld [smem:$0x3FFD];
	_ =	sdelay $0x3  }
0x96: {  	_ =	strace s3  }
0x97: {  	_ =	strace $0x8FFFFFFF  }
0x98: {  	s19 =	sld [smem:$0x3FDB];
	_ =	sdelay $0x1  }
0x99: {  	s4 =	simm.s32 $_scs_section_size  }
0x9a: {  	s5 =	simm.s32 $_size__tile_overlayer_lowered;
	s6 =	simm.s32 $_tile_overlayer_lowered  }
0x9b: {  	s22 =	simm.s32 $0x1BFF;
	s21 =	sshll.u32 s6, $0x1;
	s3 =	sadd.s32 s4, s19  }
0x9c: {  	s7 =	simm.s32 $0x0;
	s20 =	sshll.u32 s5, $0x1;
	s5 =	sadd.s32 s21, s3  }
0x9d: {  	[timem:s7], [sflag:s22] =	dma.local [hbm:s5], s20  }
0x9e: {  	_ =	swait.ge [sflag:s22], s20  }
0x9f: {  	s4 =	ssub.s32 $0x0, s20;
	[sflag:s22] =	ssyncset.done $0x0  }
0xa0: {  	[sflag:s22] =	ssyncadd.s32 s4;
	_ =	sdelay $0x1  }
0xa1: {  	s23 =	simm.s32 $0x1B8B  }
0xa2: {  	_ =	swait.ge [sflag:s23], $0x1  }
0xa3: {  	[sflag:s23] =	ssyncset.done $0x0  }
0xa4: {  	s25 =	simm.s32 $0x1B8E;
	s24 =	sld [smem:$0x3FFE];
	[sflag:s23] =	ssyncadd.s32 $0xFFFFFFFF  }
0xa5: {  	s26 =	simm.s32 $execute0_lowered;
	[smem:$0x3FD2] =	sst s25  }
0xa6: {  	s5 =	sshll.u32 s26, $0x1;
	_ =	strace $0x80000049;
	[dreg:$0x1] =	wrdreg $0xFFFFFFFF  }
0xa7: {  	s28 =	simm.s32 $_size_execute0_lowered;
	s3 =	sadd.s32 s3, s5;
	[dreg:$0x0] =	wrdreg $0x0  }
0xa8: {  	s5 =	sshll.u32 s28, $0x1;
	[dreg:$0x2] =	wrdreg s3  }
0xa9: {  	[dreg:$0x3] =	wrdreg s5  }
0xaa: {  	[dreg:$0x4] =	wrdreg $0xC0  }
0xab: {  	_ =	task [dreg:s7], $0x5FFFF  }
0xac: {  	[dreg:$0x1] =	wrdreg $0xFFFFFFFF  }
0xad: {  	[dreg:$0x0] =	wrdreg $0x60  }
0xae: {  	[dreg:$0x2] =	wrdreg s24  }
0xaf: {  	[dreg:$0x3] =	wrdreg s2  }
0xb0: {  	[dreg:$0x4] =	wrdreg $0x52000  }
0xb1: {  	[dreg:$0x5] =	wrdreg $0x9  }
0xb2: {  	_ =	task.clear_ibuf [dreg:s7], $0x6FFFF;
	_ =	strace $0x90000049  }
0xb3: {  	s29 =	simm.s32 $0x9;
	_ =	strace $0x8000004B  }
0xb4: {  	_ =	swait.ge [sflag:s29], $0x1  }
0xb5: {  	[sflag:s29] =	ssyncadd.s32 $0xFFFFFFFF  }
0xb6: {  	_ =	strace $0x9000004B  }
0xb7: {  	_ =	sfence  }
0xb8: {  	s30 =	sld [smem:$0x0];
	_ =	sdelay $0x2  }
0xb9: {  	s31 =	sshll.u32 s1, $0xD;
	s1 =	sshrl.u32 s1, $0x2  }
0xba: {  	s3 =	sand.u32 $0x4000, s31;
	s1 =	sadd.s32 s1, s30  }
0xbb: {  	s0 =	sor.u32 s3, s0;
	s1 =	sshll.u32 s1, $0x11  }
0xbc: {  	s0 =	sor.u32 s1, s0  }
0xbd: {  	s0 =	sadd.s32 $0x8F2B, s0  }
0xbe: {  	[sflag:s0] =	ssyncadd.remote.s32 $0x1  }
0xbf: {  	_ =	sfence.sel $0xFFFF  }
0xc0: {  	[dreg:$0x0] =	wrdreg $0xFFFFFFFF;
	(pc) =	sbr.abs _section_cstart, $3  }
0xc1: {  	[dreg:$0x1] =	wrdreg $0xFFFFFFFF  }
0xc2: {  	_ =	task.clear_ibuf [dreg:s7], $0x2FFFF;
	_ =	strace $0x9FFFFFFF  }
0xc3: {  	(tm) =	ssettm $0x7FFFFFFF  }
tec
execute0_lowered:
.L_overlay_start_1:
0x0: {  	(tag) =	ssettag $0x1  }
0x1: {  	s0 =	rddreg [dreg:$0x0]  }
0x2: {  	s1 =	rddreg [dreg:$0x1]  }
0x3: {  	s2 =	rddreg [dreg:$0x2];
	s3 =	srdreg.scid  }
0x4: {  	s14 =	stileid.u32;
	s28 =	simm.s32 $0x4;
	s29 =	simm.s32 $0x2A00  }
0x5: {  	s30 =	simm.s32 $0x1;
	s31 =	simm.s32 $0x3;
	s8 =	sand.u32 $0x1, s3  }
0x6: {  	s3 =	simm.s32 $0x0;
	s6 =	smul.u32 $0x140, s14;
	s4 =	sadd.s32 $0x22400, s0  }
0x7: {  	s7 =	smul.u32 $0x28000, s14;
	s12 =	sshll.u32 s14, $0xC;
	s16 =	sadd.s32 $0xA0000, s2  }
0x8: {  	p0 =	sne.s32 s14, $0x0;
	s5 =	smul.u32 $0x1400, s8;
	[smem:$0x7FF] =	sst s3  }
0x9: {  	s9 =	ssub.s32 $0x2, s8;
	s11 =	sshll.u32 s8, $0x13;
	s12 =	sadd.s32 s1, s12  }
0xa: {  	_ =	strace $0x8000004A;
	s10 =	sshrl.u32 s9, $0x1;
	s20 =	sshrl.u32 s7, $0x2  }
0xb: {  	s7 =	sshll.u32 s14, $0xF;
	[dreg:$0x4] =	wrdreg s16;
	s21 =	sadd.s32 $0x10, s12  }
0xc: {  	s14 =	simm.s32 $0x180;
	s6 =	sadd.s32 s6, s5;
	s5 =	sadd.s32 $0x2400, s0  }
0xd: {  	s15 =	ssub.s32 s9, s10;
	s9 =	sor.u32 s7, s11;
	[dreg:$0x5] =	wrdreg s21  }
0xe: {  	s6 =	sshll.u32 s6, $0x4;
	s13 =	sshrl.u32 s9, $0x3;
	s26 =	smax.u32 s15, $0x1  }
0xf: {  	s15 =	simm.s32 $0x0;
	s0 =	sadd.s32 s6, s0;
	s13 =	sadd.s32 s5, s13  }
0x10: {  	s6 =	sadd.s32 s20, s2;
	[dreg:$0xb] =	wrdreg s26;
	s22 =	sadd.s32 $0x10, s13  }
0x11: {  	s26 =	simm.s32 $0x100;
	s23 =	sadd.s32 $0x52600, s0;
	[dreg:$0x6] =	wrdreg s22  }
0x12: {  	s8 =	sadd.s32 $0x2800, s6;
	s24 =	sadd.s32 $0x52B00, s0;
	[dreg:$0x7] =	wrdreg s23  }
0x13: {  	s10 =	sadd.s32 $0x5000, s6;
	s25 =	sadd.s32 $0x53000, s0;
	[dreg:$0x8] =	wrdreg s24  }
0x14: {  	s11 =	sadd.s32 $0x7800, s6;
	s0 =	sadd.s32 $0x53500, s0;
	[dreg:$0x9] =	wrdreg s25  }
0x15: {  	[dreg:$0xa] =	wrdreg s0;
	s22 =	simm.s32 $0x200;
	s23 =	simm.s32 $0x5  }
0x16: {  	v0 =	vimm.f32 $0.0e+00;
	s24 =	simm.s32 $0x80;
	s25 =	simm.s32 $0x50;
	s0 =	simm.s32 $0x2  }
.LBB2_1:
0x17: {  	s16 =	sand.u32 $0xFE00, s3  }
0x18: {  	s17 =	sand.u32 $0x70, s3;
	s18 =	sshrl.u32 s16, $0x2  }
0x19: {  	s16 =	simm.s32 $0x40;
	s18 =	sor.u32 s17, s18;
	s17 =	simm.s32 $0x0  }
.LBB2_2:
0x1a: {  	p1 =	sne.s32 s16, $0x9FC0  }
0x1b: {  	[tilespmem:s18+$0x200] =	vst v0;
	s17 =	sadd.s32 $0x10, s17;
	s18 =	smov.u32 s16;
	s16 =	sadd.s32 $0x40, s16  }
.Ltmp0:
0x1c: {  	(pc) =	sbr.rel @p1 .LBB2_2-.Ltmp0, $4  }
0x1d: {  	_ = 	snop  }
0x1e: {  	s18 =	sand.u32 $0xFE00, s18  }
0x1f: {  	s19 =	sand.u32 $0x70, s17;
	s18 =	sshrl.u32 s18, $0x2  }
0x20: {  	s18 =	sor.u32 s19, s18  }
0x21: {  	[tilespmem:s18+$0x200] =	vst v0  }
0x22: {  	[spmem:s6] =	stream.linear.scatter [tilespmem:s22], [sflag:$0x5], $0x2800, $0x38;
	[tilespmem:$0xF240] =	vst v63  }
0x23: {  	_ =	swait.ge [sflag:s23], $0x2800  }
0x24: {  	[sflag:s23] =	ssyncset.done $0x0  }
0x25: {  	[sflag:s23] =	ssyncadd.s32 $0xFFFFD800  }
0x26: {  	[spmem:s8] =	stream.linear.scatter [tilespmem:s22], [sflag:$0x5], $0x2800, $0x38;
	[tilespmem:$0xF240] =	vst v63  }
0x27: {  	_ =	swait.ge [sflag:s23], $0x2800  }
0x28: {  	[sflag:s23] =	ssyncset.done $0x0  }
0x29: {  	[sflag:s23] =	ssyncadd.s32 $0xFFFFD800  }
0x2a: {  	[spmem:s10] =	stream.linear.scatter [tilespmem:s22], [sflag:$0x5], $0x2800, $0x38;
	[tilespmem:$0xF240] =	vst v63  }
0x2b: {  	_ =	swait.ge [sflag:s23], $0x2800  }
0x2c: {  	[sflag:s23] =	ssyncset.done $0x0  }
0x2d: {  	[sflag:s23] =	ssyncadd.s32 $0xFFFFD800  }
0x2e: {  	[spmem:s11] =	stream.linear.scatter [tilespmem:s22], [sflag:$0x5], $0x2800, $0x38;
	[tilespmem:$0xF240] =	vst v63  }
0x2f: {  	_ =	swait.ge [sflag:s23], $0x2800  }
0x30: {  	[sflag:s23] =	ssyncset.done $0x0  }
0x31: {  	s16 =	simm.s32 @!p0 $0x200;
	s17 =	rddreg [dreg:$0x4];
	[sflag:s23] =	ssyncadd.s32 $0xFFFFD800  }
0x32: {  	[spmem:s17] =	stream.linear.scatter @!p0 [tilespmem:s16], [sflag:$0x5], $0x400, $0x38;
	[tilespmem:$0xF240] =	vst v63  }
0x33: {  	s16 =	simm.s32 @!p0 $0x5  }
0x34: {  	_ =	swait.ge @!p0 [sflag:s16], $0x400  }
0x35: {  	[sflag:s16] =	ssyncset.done @!p0 $0x0  }
0x36: {  	[sflag:s16] =	ssyncadd.s32 @!p0 $0xFFFFFC00  }
0x37: {  	[bflag:$0x0] =	sbarrier.arrive $0xFFFF  }
0x38: {  	[tilespmem:s3], [sflag:$0x5] =	stream.linear.gather [hbm4b:s12+s3], $0x80, $0x38;
	[tilespmem:$0xF240] =	vst v63  }
0x39: {  	_ =	swait.ge [sflag:s23], $0x80  }
0x3a: {  	[sflag:s23] =	ssyncset.done $0x0  }
0x3b: {  	[sflag:s23] =	ssyncadd.s32 $0xFFFFFF80  }
0x3c: {  	[tilespmem:s24], [sflag:$0x5] =	stream.linear.gather [hbm4b:s13+s3], $0x80, $0x38;
	[tilespmem:$0xF240] =	vst v63  }
0x3d: {  	_ =	swait.ge [sflag:s23], $0x80  }
0x3e: {  	[sflag:s23] =	ssyncset.done $0x0  }
0x3f: {  	[sflag:s23] =	ssyncadd.s32 $0xFFFFFF80  }
0x40: {  	[tilespmem:s22], [sflag:$0x1] =	stream.indirect.gather [hbm4b:s4+s25], $0x80, s3, s25, $0xb8;
	[tilespmem:$0xF240] =	vst v63  }
0x41: {  	s18 =	rddreg [dreg:$0x5]  }
0x42: {  	[tilespmem:s26], [sflag:$0x4] =	stream.linear.gather [hbm4b:s18+s3], $0x80, $0x38;
	[tilespmem:$0xF240] =	vst v63  }
0x43: {  	s16 =	simm.s32 $0x180;
	s19 =	rddreg [dreg:$0x6]  }
0x44: {  	[tilespmem:s16], [sflag:$0x4] =	stream.linear.gather [hbm4b:s19+s3], $0x80, $0x38;
	[tilespmem:$0xF240] =	vst v63  }
0x45: {  	_ =	swait.ge [sflag:s28], $0x80  }
0x46: {  	[sflag:s28] =	ssyncset.done $0x0  }
0x47: {  	[sflag:s28] =	ssyncadd.s32 $0xFFFFFF80  }
0x48: {  	_ =	swait.ge [sflag:s28], $0x80  }
0x49: {  	[sflag:s28] =	ssyncset.done $0x0  }
0x4a: {  	[sflag:s28] =	ssyncadd.s32 $0xFFFFFF80  }
0x4b: {  	[tilespmem:s29], [sflag:$0x2] =	stream.indirect.gather [hbm4b:s4+s25], $0x80, s26, s25, $0xb8;
	[tilespmem:$0xF240] =	vst v63  }
0x4c: {  	s20 =	simm.s32 $0x100;
	_ =	swait.ge [sflag:s30], $0x2800  }
0x4d: {  	s21 =	sand.u32 $0xFC00, s20;
	[sflag:s30] =	ssyncset.done $0x0  }
0x4e: {  	s17 =	sand.u32 $0x300, s20;
	s19 =	sadd.s32 s7, s21;
	[sflag:s30] =	ssyncadd.s32 $0xFFFFD800  }
0x4f: {  	[spmem:s2] =	stream.indirect.scatter.add.f32 [tilespmem:s22], [sflag:$0x5], $0x80, s24, s25, $0xb8;
	[tilespmem:$0xF240] =	vst v63  }
0x50: {  	s18 =	sadd.s32 s9, s21;
	s19 =	sor.u32 s17, s19;
	_ =	swait.ge [sflag:s23], $0x2800  }
0x51: {  	s17 =	sor.u32 s17, s18;
	s19 =	sshrl.u32 s19, $0x3;
	[sflag:s23] =	ssyncset.done $0x0  }
0x52: {  	s17 =	sshrl.u32 s17, $0x3;
	s19 =	sadd.s32 s1, s19;
	[sflag:s23] =	ssyncadd.s32 $0xFFFFD800  }
0x53: {  	[tilespmem:s3], [sflag:$0x3] =	stream.linear.gather [hbm4b:s19+s3], $0x80, $0x38;
	[tilespmem:$0xF240] =	vst v63  }
0x54: {  	s17 =	sadd.s32 s5, s17  }
0x55: {  	[tilespmem:s24], [sflag:$0x3] =	stream.linear.gather [hbm4b:s17+s3], $0x80, $0x38;
	[tilespmem:$0xF240] =	vst v63  }
0x56: {  	_ =	swait.ge [sflag:s31], $0x80  }
0x57: {  	[sflag:s31] =	ssyncset.done $0x0  }
0x58: {  	[sflag:s31] =	ssyncadd.s32 $0xFFFFFF80  }
0x59: {  	_ =	swait.ge [sflag:s31], $0x80  }
0x5a: {  	[sflag:s31] =	ssyncset.done $0x0  }
0x5b: {  	[sflag:s31] =	ssyncadd.s32 $0xFFFFFF80  }
0x5c: {  	[tilespmem:s22], [sflag:$0x1] =	stream.indirect.gather [hbm4b:s4+s25], $0x80, s3, s25, $0xb8;
	[tilespmem:$0xF240] =	vst v63  }
0x5d: {  	_ =	swait.ge [sflag:s0], $0x2800  }
0x5e: {  	s20 =	sand.u32 $0xFC00, s16;
	[sflag:s0] =	ssyncset.done $0x0  }
0x5f: {  	s16 =	sand.u32 $0x380, s16;
	s21 =	sadd.s32 s7, s20;
	[sflag:s0] =	ssyncadd.s32 $0xFFFFD800  }
0x60: {  	[spmem:s2] =	stream.indirect.scatter.add.f32 [tilespmem:s29], [sflag:$0x5], $0x80, s14, s25, $0xb8;
	[tilespmem:$0xF240] =	vst v63  }
0x61: {  	s18 =	sor.u32 s16, s21;
	s17 =	sadd.s32 s9, s20;
	_ =	swait.ge [sflag:s23], $0x2800  }
0x62: {  	s18 =	sshrl.u32 s18, $0x3;
	s16 =	sor.u32 s16, s17;
	[sflag:s23] =	ssyncset.done $0x0  }
0x63: {  	s17 =	sadd.s32 s1, s18;
	s16 =	sshrl.u32 s16, $0x3;
	[sflag:s23] =	ssyncadd.s32 $0xFFFFD800  }
0x64: {  	[tilespmem:s26], [sflag:$0x4] =	stream.linear.gather [hbm4b:s17+s3], $0x80, $0x38;
	[tilespmem:$0xF240] =	vst v63  }
0x65: {  	s16 =	sadd.s32 s5, s16  }
0x66: {  	[tilespmem:s14], [sflag:$0x4] =	stream.linear.gather [hbm4b:s16+s3], $0x80, $0x38;
	[tilespmem:$0xF240] =	vst v63  }
0x67: {  	_ =	swait.ge [sflag:s28], $0x80  }
0x68: {  	[sflag:s28] =	ssyncset.done $0x0  }
0x69: {  	[sflag:s28] =	ssyncadd.s32 $0xFFFFFF80  }
0x6a: {  	s20 =	simm.s32 $0x200;
	_ =	swait.ge [sflag:s28], $0x80  }
0x6b: {  	s19 =	sand.u32 $0xFC00, s20;
	[sflag:s28] =	ssyncset.done $0x0  }
0x6c: {  	s21 =	sadd.s32 s7, s19;
	s19 =	sadd.s32 s9, s19;
	[sflag:s28] =	ssyncadd.s32 $0xFFFFFF80  }
0x6d: {  	[tilespmem:s29], [sflag:$0x2] =	stream.indirect.gather [hbm4b:s4+s25], $0x80, s26, s25, $0xb8;
	[tilespmem:$0xF240] =	vst v63  }
0x6e: {  	s17 =	simm.s32 $0x380;
	s16 =	simm.s32 $0x280;
	_ =	swait.ge [sflag:s30], $0x2800  }
.LBB2_4:
0x6f: {  	p1 =	sne.s32 s17, $0x7C80  }
0x70: {  	[sflag:s30] =	ssyncset.done $0x0;
	s18 =	smov.u32 s17;
	s17 =	sadd.s32 $0x100, s17  }
0x71: {  	s20 =	sand.u32 $0x300, s20;
	[sflag:s30] =	ssyncadd.s32 $0xFFFFD800  }
0x72: {  	[spmem:s2] =	stream.indirect.scatter.add.f32 [tilespmem:s22], [sflag:$0x5], $0x80, s24, s25, $0xb8;
	[tilespmem:$0xF240] =	vst v63  }
0x73: {  	s21 =	sor.u32 s20, s21;
	_ =	swait.ge [sflag:s23], $0x2800  }
0x74: {  	s21 =	sshrl.u32 s21, $0x3;
	[sflag:s23] =	ssyncset.done $0x0  }
0x75: {  	s19 =	sor.u32 s20, s19;
	s21 =	sadd.s32 s1, s21;
	[sflag:s23] =	ssyncadd.s32 $0xFFFFD800  }
0x76: {  	[tilespmem:s3], [sflag:$0x3] =	stream.linear.gather [hbm4b:s21+s3], $0x80, $0x38;
	[tilespmem:$0xF240] =	vst v63  }
0x77: {  	s19 =	sshrl.u32 s19, $0x3  }
0x78: {  	s19 =	sadd.s32 s5, s19  }
0x79: {  	[tilespmem:s24], [sflag:$0x3] =	stream.linear.gather [hbm4b:s19+s3], $0x80, $0x38;
	[tilespmem:$0xF240] =	vst v63  }
0x7a: {  	_ =	swait.ge [sflag:s31], $0x80  }
0x7b: {  	[sflag:s31] =	ssyncset.done $0x0  }
0x7c: {  	[sflag:s31] =	ssyncadd.s32 $0xFFFFFF80  }
0x7d: {  	_ =	swait.ge [sflag:s31], $0x80  }
0x7e: {  	[sflag:s31] =	ssyncset.done $0x0  }
0x7f: {  	[sflag:s31] =	ssyncadd.s32 $0xFFFFFF80  }
0x80: {  	[tilespmem:s22], [sflag:$0x1] =	stream.indirect.gather [hbm4b:s4+s25], $0x80, s3, s25, $0xb8;
	[tilespmem:$0xF240] =	vst v63  }
0x81: {  	_ =	swait.ge [sflag:s0], $0x2800  }
0x82: {  	s19 =	sand.u32 $0xFC00, s16;
	s16 =	sand.u32 $0x380, s16;
	[sflag:s0] =	ssyncset.done $0x0  }
0x83: {  	s20 =	sadd.s32 s7, s19;
	s19 =	sadd.s32 s9, s19;
	[sflag:s0] =	ssyncadd.s32 $0xFFFFD800  }
0x84: {  	[spmem:s2] =	stream.indirect.scatter.add.f32 [tilespmem:s29], [sflag:$0x5], $0x80, s14, s25, $0xb8;
	[tilespmem:$0xF240] =	vst v63  }
0x85: {  	s20 =	sor.u32 s16, s20;
	s16 =	sor.u32 s16, s19;
	_ =	swait.ge [sflag:s23], $0x2800  }
0x86: {  	s19 =	sshrl.u32 s20, $0x3;
	s16 =	sshrl.u32 s16, $0x3;
	[sflag:s23] =	ssyncset.done $0x0  }
0x87: {  	s19 =	sadd.s32 s1, s19;
	s20 =	sadd.s32 s5, s16;
	[sflag:s23] =	ssyncadd.s32 $0xFFFFD800  }
0x88: {  	[tilespmem:s26], [sflag:$0x4] =	stream.linear.gather [hbm4b:s19+s3], $0x80, $0x38;
	[tilespmem:$0xF240] =	vst v63  }
0x89: {  	s16 =	smov.u32 s18  }
0x8a: {  	[tilespmem:s14], [sflag:$0x4] =	stream.linear.gather [hbm4b:s20+s3], $0x80, $0x38;
	[tilespmem:$0xF240] =	vst v63  }
0x8b: {  	_ =	swait.ge [sflag:s28], $0x80  }
0x8c: {  	[sflag:s28] =	ssyncset.done $0x0  }
0x8d: {  	[sflag:s28] =	ssyncadd.s32 $0xFFFFFF80  }
.Ltmp1:
0x8e: {  	_ =	swait.ge [sflag:s28], $0x80;
	(pc) =	sbr.rel @p1 .LBB2_4-.Ltmp1, $4  }
0x8f: {  	s20 =	sadd.s32 $0xFFFFFF80, s16;
	[sflag:s28] =	ssyncset.done $0x0  }
0x90: {  	s18 =	sand.u32 $0xFC00, s20;
	[sflag:s28] =	ssyncadd.s32 $0xFFFFFF80  }
0x91: {  	[tilespmem:s29], [sflag:$0x2] =	stream.indirect.gather [hbm4b:s4+s25], $0x80, s26, s25, $0xb8;
	[tilespmem:$0xF240] =	vst v63  }
0x92: {  	s21 =	sadd.s32 s7, s18;
	s19 =	sadd.s32 s9, s18;
	_ =	swait.ge [sflag:s30], $0x2800  }
0x93: {  	[sflag:s30] =	ssyncset.done $0x0  }
0x94: {  	s17 =	sand.u32 $0x300, s20;
	[sflag:s30] =	ssyncadd.s32 $0xFFFFD800  }
0x95: {  	[spmem:s2] =	stream.indirect.scatter.add.f32 [tilespmem:s22], [sflag:$0x5], $0x80, s24, s25, $0xb8;
	[tilespmem:$0xF240] =	vst v63  }
0x96: {  	s18 =	sor.u32 s17, s21;
	_ =	swait.ge [sflag:s23], $0x2800  }
0x97: {  	s17 =	sor.u32 s17, s19;
	s18 =	sshrl.u32 s18, $0x3;
	[sflag:s23] =	ssyncset.done $0x0  }
0x98: {  	s17 =	sshrl.u32 s17, $0x3;
	s18 =	sadd.s32 s1, s18;
	[sflag:s23] =	ssyncadd.s32 $0xFFFFD800  }
0x99: {  	[tilespmem:s3], [sflag:$0x3] =	stream.linear.gather [hbm4b:s18+s3], $0x80, $0x38;
	[tilespmem:$0xF240] =	vst v63  }
0x9a: {  	s17 =	sadd.s32 s5, s17  }
0x9b: {  	[tilespmem:s24], [sflag:$0x3] =	stream.linear.gather [hbm4b:s17+s3], $0x80, $0x38;
	[tilespmem:$0xF240] =	vst v63  }
0x9c: {  	_ =	swait.ge [sflag:s31], $0x80  }
0x9d: {  	[sflag:s31] =	ssyncset.done $0x0  }
0x9e: {  	[sflag:s31] =	ssyncadd.s32 $0xFFFFFF80  }
0x9f: {  	_ =	swait.ge [sflag:s31], $0x80  }
0xa0: {  	[sflag:s31] =	ssyncset.done $0x0  }
0xa1: {  	[sflag:s31] =	ssyncadd.s32 $0xFFFFFF80  }
0xa2: {  	[tilespmem:s22], [sflag:$0x1] =	stream.indirect.gather [hbm4b:s4+s25], $0x80, s3, s25, $0xb8;
	[tilespmem:$0xF240] =	vst v63  }
0xa3: {  	_ =	swait.ge [sflag:s0], $0x2800  }
0xa4: {  	s21 =	sand.u32 $0xFC00, s16;
	[sflag:s0] =	ssyncset.done $0x0  }
0xa5: {  	s19 =	sand.u32 $0x380, s16;
	s20 =	sadd.s32 s7, s21;
	[sflag:s0] =	ssyncadd.s32 $0xFFFFD800  }
0xa6: {  	[spmem:s2] =	stream.indirect.scatter.add.f32 [tilespmem:s29], [sflag:$0x5], $0x80, s14, s25, $0xb8;
	[tilespmem:$0xF240] =	vst v63  }
0xa7: {  	s18 =	sor.u32 s19, s20;
	s17 =	sadd.s32 s9, s21;
	_ =	swait.ge [sflag:s23], $0x2800  }
0xa8: {  	s18 =	sshrl.u32 s18, $0x3;
	s16 =	sor.u32 s19, s17;
	[sflag:s23] =	ssyncset.done $0x0  }
0xa9: {  	s21 =	sadd.s32 s1, s18;
	s16 =	sshrl.u32 s16, $0x3;
	[sflag:s23] =	ssyncadd.s32 $0xFFFFD800  }
0xaa: {  	[tilespmem:s26], [sflag:$0x4] =	stream.linear.gather [hbm4b:s21+s3], $0x80, $0x38;
	[tilespmem:$0xF240] =	vst v63  }
0xab: {  	s16 =	sadd.s32 s5, s16  }
0xac: {  	[tilespmem:s14], [sflag:$0x4] =	stream.linear.gather [hbm4b:s16+s3], $0x80, $0x38;
	[tilespmem:$0xF240] =	vst v63  }
0xad: {  	_ =	swait.ge [sflag:s28], $0x80  }
0xae: {  	[sflag:s28] =	ssyncset.done $0x0  }
0xaf: {  	[sflag:s28] =	ssyncadd.s32 $0xFFFFFF80  }
0xb0: {  	_ =	swait.ge [sflag:s28], $0x80  }
0xb1: {  	[sflag:s28] =	ssyncset.done $0x0  }
0xb2: {  	[sflag:s28] =	ssyncadd.s32 $0xFFFFFF80  }
0xb3: {  	[tilespmem:s29], [sflag:$0x2] =	stream.indirect.gather [hbm4b:s4+s25], $0x80, s26, s25, $0xb8;
	[tilespmem:$0xF240] =	vst v63  }
0xb4: {  	_ =	swait.ge [sflag:s30], $0x2800  }
0xb5: {  	[sflag:s30] =	ssyncset.done $0x0  }
0xb6: {  	[sflag:s30] =	ssyncadd.s32 $0xFFFFD800  }
0xb7: {  	[spmem:s2] =	stream.indirect.scatter.add.f32 [tilespmem:s22], [sflag:$0x5], $0x80, s24, s25, $0xb8;
	[tilespmem:$0xF240] =	vst v63  }
0xb8: {  	_ =	swait.ge [sflag:s23], $0x2800  }
0xb9: {  	[sflag:s23] =	ssyncset.done $0x0  }
0xba: {  	[sflag:s23] =	ssyncadd.s32 $0xFFFFD800  }
0xbb: {  	_ =	swait.ge [sflag:s0], $0x2800  }
0xbc: {  	[sflag:s0] =	ssyncset.done $0x0  }
0xbd: {  	[sflag:s0] =	ssyncadd.s32 $0xFFFFD800  }
0xbe: {  	[spmem:s2] =	stream.indirect.scatter.add.f32 [tilespmem:s29], [sflag:$0x5], $0x80, s14, s25, $0xb8;
	[tilespmem:$0xF240] =	vst v63  }
0xbf: {  	_ =	swait.ge [sflag:s23], $0x2800  }
0xc0: {  	[sflag:s23] =	ssyncset.done $0x0  }
0xc1: {  	[sflag:s23] =	ssyncadd.s32 $0xFFFFD800  }
0xc2: {  	[bflag:$0x0] =	sbarrier.arrive $0xFFFF  }
0xc3: {  	[tilespmem:s22], [sflag:$0x5] =	stream.linear.gather [spmem:s6], $0x2800, $0x38;
	[tilespmem:$0xF240] =	vst v63  }
0xc4: {  	_ =	swait.ge [sflag:s23], $0x2800  }
0xc5: {  	[sflag:s23] =	ssyncset.done $0x0  }
0xc6: {  	s17 =	rddreg [dreg:$0x7];
	[sflag:s23] =	ssyncadd.s32 $0xFFFFD800  }
0xc7: {  	[hbm4b:s17+s3] =	stream.linear.scatter [tilespmem:s22], [sflag:$0x5], $0x2800, $0x38;
	[tilespmem:$0xF240] =	vst v63  }
0xc8: {  	_ =	swait.ge [sflag:s23], $0x2800  }
0xc9: {  	[sflag:s23] =	ssyncset.done $0x0  }
0xca: {  	[sflag:s23] =	ssyncadd.s32 $0xFFFFD800  }
0xcb: {  	[tilespmem:s22], [sflag:$0x5] =	stream.linear.gather [spmem:s8], $0x2800, $0x38;
	[tilespmem:$0xF240] =	vst v63  }
0xcc: {  	_ =	swait.ge [sflag:s23], $0x2800  }
0xcd: {  	[sflag:s23] =	ssyncset.done $0x0  }
0xce: {  	s18 =	rddreg [dreg:$0x8];
	[sflag:s23] =	ssyncadd.s32 $0xFFFFD800  }
0xcf: {  	[hbm4b:s18+s3] =	stream.linear.scatter [tilespmem:s22], [sflag:$0x5], $0x2800, $0x38;
	[tilespmem:$0xF240] =	vst v63  }
0xd0: {  	_ =	swait.ge [sflag:s23], $0x2800  }
0xd1: {  	[sflag:s23] =	ssyncset.done $0x0  }
0xd2: {  	[sflag:s23] =	ssyncadd.s32 $0xFFFFD800  }
0xd3: {  	[tilespmem:s22], [sflag:$0x5] =	stream.linear.gather [spmem:s10], $0x2800, $0x38;
	[tilespmem:$0xF240] =	vst v63  }
0xd4: {  	_ =	swait.ge [sflag:s23], $0x2800  }
0xd5: {  	[sflag:s23] =	ssyncset.done $0x0  }
0xd6: {  	s19 =	rddreg [dreg:$0x9];
	[sflag:s23] =	ssyncadd.s32 $0xFFFFD800  }
0xd7: {  	[hbm4b:s19+s3] =	stream.linear.scatter [tilespmem:s22], [sflag:$0x5], $0x2800, $0x38;
	[tilespmem:$0xF240] =	vst v63  }
0xd8: {  	_ =	swait.ge [sflag:s23], $0x2800  }
0xd9: {  	[sflag:s23] =	ssyncset.done $0x0  }
0xda: {  	[sflag:s23] =	ssyncadd.s32 $0xFFFFD800  }
0xdb: {  	[tilespmem:s22], [sflag:$0x5] =	stream.linear.gather [spmem:s11], $0x2800, $0x38;
	[tilespmem:$0xF240] =	vst v63  }
0xdc: {  	_ =	swait.ge [sflag:s23], $0x2800  }
0xdd: {  	[sflag:s23] =	ssyncset.done $0x0  }
0xde: {  	s20 =	rddreg [dreg:$0xa];
	[sflag:s23] =	ssyncadd.s32 $0xFFFFD800  }
0xdf: {  	[hbm4b:s20+s3] =	stream.linear.scatter [tilespmem:s22], [sflag:$0x5], $0x2800, $0x38;
	[tilespmem:$0xF240] =	vst v63  }
0xe0: {  	_ =	swait.ge [sflag:s23], $0x2800  }
0xe1: {  	s15 =	sadd.s32 $0x1, s15;
	s21 =	rddreg [dreg:$0xb]  }
0xe2: {  	p1 =	sne.s32 s15, s21  }
.Ltmp2:
0xe3: {  	_ = 	snop;
	(pc) =	sbr.rel @p1 .LBB2_1-.Ltmp2, $3  }
0xe4: {  	_ =	sdelay $0x1  }
0xe5: {  	[sflag:s23] =	ssyncset.done $0x0  }
0xe6: {  	[sflag:s23] =	ssyncadd.s32 $0xFFFFD800  }
0xe7: {  	_ =	sfence.sel $0x180000  }
0xe8: {  	[bflag:$0x0] =	sbarrier.arrive $0xFFFF  }
0xe9: {  	_ =	strace $0x9000004A  }
0xea: {  	[bflag:$0x2] =	sbarrier.arrive $0xFFFF  }
0xeb: {  	s0 =	rddreg [dreg:$0x3]  }
0xec: {  	s0 =	sadd.s32 @!p0 $0x100000, s0  }
0xed: {  	[sflag:s0] =	ssyncadd.tile.s32 @!p0 $0x1;
	_ =	shalt  }
.Lfunc_end2:
_tile_overlayer_lowered:
.L_overlay_start_2:
0xee: {  	(tag) =	ssettag $0x2  }
0xef: {  	s0 =	rddreg [dreg:$0x0];
	s2 =	stileid.u32  }
0xf0: {  	s1 =	rddreg [dreg:$0x1];
	p0 =	sne.s32 s2, $0x0  }
0xf1: {  	s3 =	rddreg [dreg:$0x2];
	[bflag:$0x3] =	sbarrier.arrive $0xFFFF;
	s2 =	simm.s32 @!p0 $0x1C05  }
0xf2: {  	[timem:s3], [sflag:s2] =	dma.local @!p0 [hbm:s0], s1  }
0xf3: {  	s0 =	simm.s32 @!p0 $0x5  }
0xf4: {  	_ =	swait.ge @!p0 [sflag:s0], s1  }
0xf5: {  	s1 =	ssub.s32 @!p0 $0x0, s1;
	[sflag:s0] =	ssyncset.done @!p0 $0x0  }
0xf6: {  	[sflag:s0] =	ssyncadd.s32 @!p0 s1  }
0xf7: {  	[bflag:$0x3] =	sbarrier.arrive $0xFFFF  }
0xf8: {  	_ =	shalt  }

// kernel: kernel.6.cloned.1.call-start
scs
__scs_entry_jumppad:
0x0: {  	(pc) =	sbr.rel $0x88, $3  }
0x1: {  	(tag) =	ssettag $0x0;
	lr =	simm.s32 $0x1  }
0x2: {  	[smem:$0x3F99] =	sst lr;
	_ =	strace $0xD0000000  }
0x3: {  	_ = 	snop  }
0x4: {  	_ = 	snop  }
0x5: {  	_ = 	snop  }
0x6: {  	_ = 	snop  }
0x7: {  	_ = 	snop  }
__scs_overlays_trampoline_lowered:
0x8: {  	[smem:$0x3FA8] =	sst s0  }
0x9: {  	[smem:$0x3FA9] =	sst s1  }
0xa: {  	[smem:$0x3FAA] =	sst s2  }
0xb: {  	[smem:$0x3FAB] =	sst s3  }
0xc: {  	[smem:$0x3FAC] =	sst s4  }
0xd: {  	[smem:$0x3FAD] =	sst s5  }
0xe: {  	[smem:$0x3FAE] =	sst s6  }
0xf: {  	[smem:$0x3FAF] =	sst s7  }
0x10: {  	[smem:$0x3FB0] =	sst s8  }
0x11: {  	[smem:$0x3FB1] =	sst s9;
	s0 =	simm.s32 @!p0 $0x0  }
0x12: {  	s1 =	sld [smem:$0x3F97];
	s0 =	simm.s32 @p0 $0x1  }
0x13: {  	[smem:$0x3FB2] =	sst s0;
	s0 =	simm.s32 @!p1 $0x0  }
0x14: {  	s2 =	sld [smem:$0x3F96];
	s0 =	simm.s32 @p1 $0x1  }
0x15: {  	[smem:$0x3FB3] =	sst s0;
	s0 =	simm.s32 @!p2 $0x0  }
0x16: {  	s3 =	sld [smem:$0x3FDB];
	s0 =	simm.s32 @p2 $0x1  }
0x17: {  	s4 =	simm.s32 $0x1BF5;
	[smem:$0x3FB5] =	sst s0  }
0x18: {  	s0 =	sld [smem:$0x3F98];
	_ =	swait.ge [sflag:s4], $0x0  }
0x19: {  	s7 =	sld [smem:$0x3F99]  }
0x1a: {  	s8 =	sadd.s32 $0xFFFFE003, lr  }
0x1b: {  	s9 =	sadd.s32 $0xFFFFFEF7, lr;
	s5 =	simm.s32 $0xFFFFFFFF;
	p2 =	slt.u32 s8, $0xFFFFF086  }
0x1c: {  	p1 =	slt.u32 s9, $0xF7A;
	s5 =	simm.s32 @!p2 $0x0  }
0x1d: {  	s5 =	simm.s32 @p1 $0x1;
	p0 =	seq.s32 s7, s2  }
0x1e: {  	s7 =	smul.u32 @!p0 $0xF7A, s2;
	p2 =	seq.s32 @!p0 s5, $0x0  }
0x1f: {  	s9 =	smul.u32 $0xF7A, s1;
	s8 =	simm.s32 @!p0 $0x1BF5;
	p2 =	por !p2, p0  }
0x20: {  	[sflag:s8] =	ssyncset.s32 @!p0 $0xFFFFF086;
	s6 =	sadd.s32 @!p0 s3, s7;
	s7 =	simm.s32 @!p0 $0x108  }
0x21: {  	s3 =	sadd.s32 s3, s9;
	s6 =	sadd.s32 @!p0 $0x88, s6;
	s7 =	simm.s32 @p2 $0x1082  }
0x22: {  	[simem:s7], [sflag:s8] =	dma.local @!p0 [hbm:s6], $0xF7A  }
0x23: {  	s9 =	sor.u32 $0xD0000000, s2;
	s6 =	simm.s32 $0x108;
	_ =	swait.ge @!p0 [sflag:s8], $0x0  }
0x24: {  	s3 =	sadd.s32 $0x88, s3;
	s6 =	simm.s32 @!p1 $0x1082;
	[sflag:s4] =	ssyncset.s32 $0xFFFFF086  }
0x25: {  	[simem:s6], [sflag:s4] =	dma.local [hbm:s3], $0xF7A  }
0x26: {  	[smem:$0x3F99] =	sst s1;
	(tag) =	ssettag s2;
	_ =	strace s9  }
0x27: {  	s1 =	sld [smem:$0x3FA9]  }
0x28: {  	s2 =	sld [smem:$0x3FAA]  }
0x29: {  	s4 =	sld [smem:$0x3FAC]  }
0x2a: {  	p0 =	seq.s32 s5, $0x0;
	s5 =	sld [smem:$0x3FAD]  }
0x2b: {  	s6 =	sld [smem:$0x3FAE]  }
0x2c: {  	s7 =	sld [smem:$0x3FAF]  }
0x2d: {  	s3 =	simm.s32 $0x108;
	s8 =	sld [smem:$0x3FB0]  }
0x2e: {  	s3 =	simm.s32 @!p0 $0x1082;
	s9 =	sld [smem:$0x3FB1]  }
0x2f: {  	lr =	sadd.s32 s0, s3;
	s0 =	sld [smem:$0x3FA8]  }
0x30: {  	s3 =	sld [smem:$0x3FAB]  }
0x31: {  	[smem:$0x3FB4] =	sst s10  }
0x32: {  	s10 =	sld [smem:$0x3FB2];
	_ =	sdelay $0x3  }
0x33: {  	p0 =	seq.s32 s10, $0x1;
	s10 =	sld [smem:$0x3FB4];
	_ =	sdelay $0x3  }
0x34: {  	[smem:$0x3FB4] =	sst s10  }
0x35: {  	s10 =	sld [smem:$0x3FB3];
	_ =	sdelay $0x3  }
0x36: {  	p1 =	seq.s32 s10, $0x1;
	s10 =	sld [smem:$0x3FB4];
	_ =	sdelay $0x3  }
0x37: {  	[smem:$0x3FB4] =	sst s10  }
0x38: {  	s10 =	sld [smem:$0x3FB5]  }
0x39: {  	_ = 	snop;
	(pc) =	sbr.ind lr, $3  }
0x3a: {  	_ = 	snop  }
0x3b: {  	_ = 	snop  }
0x3c: {  	p2 =	seq.s32 s10, $0x1;
	s10 =	sld [smem:$0x3FB4]  }
0x3d: {  	_ =	shalt  }
0x3e: {  	_ =	shalt  }
0x3f: {  	_ =	shalt  }
0x40: {  	_ =	shalt  }
0x41: {  	_ =	shalt  }
0x42: {  	_ =	shalt  }
0x43: {  	_ =	shalt  }
0x44: {  	_ =	shalt  }
0x45: {  	_ =	shalt  }
0x46: {  	_ =	shalt  }
0x47: {  	_ =	shalt  }
0x48: {  	_ =	shalt  }
0x49: {  	_ =	shalt  }
0x4a: {  	_ =	shalt  }
0x4b: {  	_ =	shalt  }
0x4c: {  	_ =	shalt  }
0x4d: {  	_ =	shalt  }
0x4e: {  	_ =	shalt  }
0x4f: {  	_ =	shalt  }
0x50: {  	_ =	shalt  }
0x51: {  	_ =	shalt  }
0x52: {  	_ =	shalt  }
0x53: {  	_ =	shalt  }
0x54: {  	_ =	shalt  }
0x55: {  	_ =	shalt  }
0x56: {  	_ =	shalt  }
0x57: {  	_ =	shalt  }
0x58: {  	_ =	shalt  }
0x59: {  	_ =	shalt  }
0x5a: {  	_ =	shalt  }
0x5b: {  	_ =	shalt  }
0x5c: {  	_ =	shalt  }
0x5d: {  	_ =	shalt  }
0x5e: {  	_ =	shalt  }
0x5f: {  	_ =	shalt  }
0x60: {  	_ =	shalt  }
0x61: {  	_ =	shalt  }
0x62: {  	_ =	shalt  }
0x63: {  	_ =	shalt  }
0x64: {  	_ =	shalt  }
0x65: {  	_ =	shalt  }
0x66: {  	_ =	shalt  }
0x67: {  	_ =	shalt  }
0x68: {  	_ =	shalt  }
0x69: {  	_ =	shalt  }
0x6a: {  	_ =	shalt  }
0x6b: {  	_ =	shalt  }
0x6c: {  	_ =	shalt  }
0x6d: {  	_ =	shalt  }
0x6e: {  	_ =	shalt  }
0x6f: {  	_ =	shalt  }
0x70: {  	_ =	shalt  }
0x71: {  	_ =	shalt  }
0x72: {  	_ =	shalt  }
0x73: {  	_ =	shalt  }
0x74: {  	_ =	shalt  }
0x75: {  	_ =	shalt  }
0x76: {  	_ =	shalt  }
0x77: {  	_ =	shalt  }
0x78: {  	_ =	shalt  }
0x79: {  	_ =	shalt  }
0x7a: {  	_ =	shalt  }
0x7b: {  	_ =	shalt  }
0x7c: {  	_ =	shalt  }
0x7d: {  	_ =	shalt  }
0x7e: {  	_ =	shalt  }
0x7f: {  	_ =	shalt  }
0x80: {  	_ =	shalt  }
0x81: {  	_ =	shalt  }
0x82: {  	_ =	shalt  }
0x83: {  	_ =	shalt  }
0x84: {  	_ =	shalt  }
0x85: {  	_ =	shalt  }
0x86: {  	_ =	shalt  }
0x87: {  	_ =	shalt  }
.Lfunc_end0:
.L_simem_size_0:
called_computation.1_lowered:
.L_overlay_start_0:
0x88: {  	s2 =	sld [smem:$0x3FD9]  }
0x89: {  	s3 =	sld [smem:$0x3FFE];
	_ =	sdelay $0x1  }
0x8a: {  	s1 =	srdreg.scid  }
0x8b: {  	s0 =	sand.u32 $0x1, s1  }
0x8c: {  	s17 =	sshll.u32 s0, $0xA;
	s2 =	sadd.s32 s3, s2  }
0x8d: {  	s2 =	sadd.s32 s2, s17  }
0x8e: {  	[smem:$0x3FC0] =	sst s2  }
0x8f: {  	_ = 	snop  }
0x90: {  	s2 =	sld [smem:$0x3FD0];
	(tm) =	ssettm $0x1  }
0x91: {  	s18 =	sld [smem:$0x3FFB];
	_ =	sdelay $0x3  }
0x92: {  	_ =	strace s18  }
0x93: {  	s3 =	sld [smem:$0x3FFC];
	_ =	sdelay $0x3  }
0x94: {  	_ =	strace s3  }
0x95: {  	s3 =	sld [smem:$0x3FFD];
	_ =	sdelay $0x3  }
0x96: {  	_ =	strace s3  }
0x97: {  	_ =	strace $0x8FFFFFFF  }
0x98: {  	s19 =	sld [smem:$0x3FDB];
	_ =	sdelay $0x1  }
0x99: {  	s4 =	simm.s32 $_scs_section_size  }
0x9a: {  	s5 =	simm.s32 $_size__tile_overlayer_lowered;
	s6 =	simm.s32 $_tile_overlayer_lowered  }
0x9b: {  	s22 =	simm.s32 $0x1BFF;
	s21 =	sshll.u32 s6, $0x1;
	s3 =	sadd.s32 s4, s19  }
0x9c: {  	s7 =	simm.s32 $0x0;
	s20 =	sshll.u32 s5, $0x1;
	s5 =	sadd.s32 s21, s3  }
0x9d: {  	[timem:s7], [sflag:s22] =	dma.local [hbm:s5], s20  }
0x9e: {  	_ =	swait.ge [sflag:s22], s20  }
0x9f: {  	s4 =	ssub.s32 $0x0, s20;
	[sflag:s22] =	ssyncset.done $0x0  }
0xa0: {  	[sflag:s22] =	ssyncadd.s32 s4;
	_ =	sdelay $0x1  }
0xa1: {  	s23 =	simm.s32 $0x1B8B  }
0xa2: {  	_ =	swait.ge [sflag:s23], $0x1  }
0xa3: {  	[sflag:s23] =	ssyncset.done $0x0  }
0xa4: {  	s25 =	simm.s32 $0x1B8E;
	s24 =	sld [smem:$0x3FFE];
	[sflag:s23] =	ssyncadd.s32 $0xFFFFFFFF  }
0xa5: {  	s26 =	simm.s32 $execute0_lowered;
	[smem:$0x3FD2] =	sst s25  }
0xa6: {  	s5 =	sshll.u32 s26, $0x1;
	_ =	strace $0x80000046;
	[dreg:$0x1] =	wrdreg $0xFFFFFFFF  }
0xa7: {  	s28 =	simm.s32 $_size_execute0_lowered;
	s3 =	sadd.s32 s3, s5;
	[dreg:$0x0] =	wrdreg $0x0  }
0xa8: {  	s5 =	sshll.u32 s28, $0x1;
	[dreg:$0x2] =	wrdreg s3  }
0xa9: {  	[dreg:$0x3] =	wrdreg s5  }
0xaa: {  	[dreg:$0x4] =	wrdreg $0xC0  }
0xab: {  	_ =	task [dreg:s7], $0x5FFFF  }
0xac: {  	[dreg:$0x1] =	wrdreg $0xFFFFFFFF  }
0xad: {  	[dreg:$0x0] =	wrdreg $0x60  }
0xae: {  	[dreg:$0x2] =	wrdreg s2  }
0xaf: {  	[dreg:$0x3] =	wrdreg s24  }
0xb0: {  	[dreg:$0x4] =	wrdreg $0x28800  }
0xb1: {  	[dreg:$0x5] =	wrdreg $0x9  }
0xb2: {  	_ =	task.clear_ibuf [dreg:s7], $0x6FFFF;
	_ =	strace $0x90000046  }
0xb3: {  	s29 =	simm.s32 $0x9;
	_ =	strace $0x80000048  }
0xb4: {  	_ =	swait.ge [sflag:s29], $0x1  }
0xb5: {  	[sflag:s29] =	ssyncadd.s32 $0xFFFFFFFF  }
0xb6: {  	_ =	strace $0x90000048  }
0xb7: {  	_ =	sfence  }
0xb8: {  	s30 =	sld [smem:$0x0];
	_ =	sdelay $0x2  }
0xb9: {  	s31 =	sshll.u32 s1, $0xD;
	s1 =	sshrl.u32 s1, $0x2  }
0xba: {  	s3 =	sand.u32 $0x4000, s31;
	s1 =	sadd.s32 s1, s30  }
0xbb: {  	s0 =	sor.u32 s3, s0;
	s1 =	sshll.u32 s1, $0x11  }
0xbc: {  	s0 =	sor.u32 s1, s0  }
0xbd: {  	s0 =	sadd.s32 $0x8F2B, s0  }
0xbe: {  	[sflag:s0] =	ssyncadd.remote.s32 $0x1  }
0xbf: {  	_ =	sfence.sel $0xFFFF  }
0xc0: {  	[dreg:$0x0] =	wrdreg $0xFFFFFFFF;
	(pc) =	sbr.abs _section_cstart, $3  }
0xc1: {  	[dreg:$0x1] =	wrdreg $0xFFFFFFFF  }
0xc2: {  	_ =	task.clear_ibuf [dreg:s7], $0x2FFFF;
	_ =	strace $0x9FFFFFFF  }
0xc3: {  	(tm) =	ssettm $0x7FFFFFFF  }
tec
execute0_lowered:
.L_overlay_start_1:
0x0: {  	(tag) =	ssettag $0x1  }
0x1: {  	s21 =	rddreg [dreg:$0x0]  }
0x2: {  	s4 =	rddreg [dreg:$0x1]  }
0x3: {  	s2 =	rddreg [dreg:$0x2]  }
0x4: {  	s0 =	rddreg [dreg:$0x3]  }
0x5: {  	s3 =	simm.s32 $0x0;
	s5 =	srdreg.scid;
	s1 =	stileid.u32  }
0x6: {  	[smem:$0x7FF] =	sst s3;
	s8 =	sand.u32 $0x1, s5;
	s30 =	smul.u32 $0x50000, s1  }
0x7: {  	s11 =	smul.u32 $0x14000, s1;
	s19 =	sadd.s32 $0x2400, s4;
	s25 =	sshll.u32 s1, $0xC  }
0x8: {  	_ =	strace $0x80000047;
	s6 =	ssub.s32 $0x2, s8;
	s22 =	smul.u32 $0x140000, s8  }
0x9: {  	s21 =	sadd.s32 s25, s21;
	s25 =	simm.s32 $0x0;
	s31 =	sshrl.u32 s6, $0x1  }
0xa: {  	s5 =	sshrl.u32 s30, $0x2;
	s12 =	sor.u32 $0x2800, s11;
	s14 =	sadd.s32 $0x5000, s11  }
0xb: {  	s15 =	sadd.s32 $0x7800, s11;
	s16 =	sadd.s32 $0xA000, s11;
	s17 =	sadd.s32 $0xC800, s11  }
0xc: {  	s18 =	sadd.s32 $0xF000, s11;
	s23 =	sadd.s32 $0x11800, s11;
	s20 =	ssub.s32 s6, s31  }
0xd: {  	s4 =	sadd.s32 s5, s2;
	s5 =	sadd.s32 s12, s2;
	s6 =	sadd.s32 s14, s2  }
0xe: {  	s7 =	sadd.s32 s15, s2;
	s8 =	sadd.s32 s16, s2;
	s9 =	sadd.s32 s17, s2  }
0xf: {  	s10 =	sadd.s32 s18, s2;
	s13 =	sadd.s32 s11, s22;
	s12 =	sadd.s32 s22, s12  }
0x10: {  	s11 =	sadd.s32 s23, s2;
	s14 =	sadd.s32 s22, s14;
	s15 =	sadd.s32 s22, s15  }
0x11: {  	s16 =	sadd.s32 s22, s16;
	s17 =	sadd.s32 s22, s17;
	s18 =	sadd.s32 s22, s18  }
0x12: {  	s22 =	sadd.s32 s22, s23;
	s23 =	simm.s32 $0x1;
	s13 =	sshrl.u32 s13, $0x3  }
0x13: {  	s24 =	sshrl.u32 s12, $0x3;
	s14 =	sshrl.u32 s14, $0x3;
	s15 =	sshrl.u32 s15, $0x3  }
0x14: {  	s16 =	sshrl.u32 s16, $0x3;
	s17 =	sshrl.u32 s17, $0x3;
	s18 =	sshrl.u32 s18, $0x3  }
0x15: {  	s22 =	sshrl.u32 s22, $0x3;
	s20 =	smax.u32 s20, $0x1;
	s12 =	sadd.s32 s19, s13  }
0x16: {  	s13 =	sadd.s32 s19, s24;
	s14 =	sadd.s32 s19, s14;
	s15 =	sadd.s32 s19, s15  }
0x17: {  	s16 =	sadd.s32 s19, s16;
	s17 =	sadd.s32 s19, s17;
	s18 =	sadd.s32 s19, s18  }
0x18: {  	v0 =	vimm.f32 $0.0e+00;
	v1 =	vimm.f32 $1.000000000e+00;
	s19 =	sadd.s32 s19, s22;
	s22 =	simm.s32 $0x80;
	s24 =	simm.s32 $0x50  }
.LBB2_1:
0x19: {  	s26 =	simm.s32 $0x200;
	s28 =	simm.s32 $0x0  }
.LBB2_2:
0x1a: {  	p0 =	sne.s32 s26, $0x9E00;
	[tilespmem:s28+$0x80] =	vst v0;
	s28 =	smov.u32 s26;
	s26 =	sadd.s32 $0x200, s26  }
.Ltmp0:
0x1b: {  	(pc) =	sbr.rel @p0 .LBB2_2-.Ltmp0, $2  }
0x1c: {  	_ =	sdelay $0x2  }
0x1d: {  	s28 =	sshra.s32 s28, $0x2  }
0x1e: {  	[tilespmem:s28+$0x80] =	vst v0  }
0x1f: {  	[spmem:s4] =	stream.linear.scatter [tilespmem:s22], [sflag:$0x1], $0x2800, $0x38;
	[tilespmem:$0x5080] =	vst v63  }
0x20: {  	_ =	swait.ge [sflag:s23], $0x2800  }
0x21: {  	[sflag:s23] =	ssyncset.done $0x0  }
0x22: {  	[sflag:s23] =	ssyncadd.s32 $0xFFFFD800  }
0x23: {  	[spmem:s5] =	stream.linear.scatter [tilespmem:s22], [sflag:$0x1], $0x2800, $0x38;
	[tilespmem:$0x5080] =	vst v63  }
0x24: {  	_ =	swait.ge [sflag:s23], $0x2800  }
0x25: {  	[sflag:s23] =	ssyncset.done $0x0  }
0x26: {  	[sflag:s23] =	ssyncadd.s32 $0xFFFFD800  }
0x27: {  	[spmem:s6] =	stream.linear.scatter [tilespmem:s22], [sflag:$0x1], $0x2800, $0x38;
	[tilespmem:$0x5080] =	vst v63  }
0x28: {  	_ =	swait.ge [sflag:s23], $0x2800  }
0x29: {  	[sflag:s23] =	ssyncset.done $0x0  }
0x2a: {  	[sflag:s23] =	ssyncadd.s32 $0xFFFFD800  }
0x2b: {  	[spmem:s7] =	stream.linear.scatter [tilespmem:s22], [sflag:$0x1], $0x2800, $0x38;
	[tilespmem:$0x5080] =	vst v63  }
0x2c: {  	_ =	swait.ge [sflag:s23], $0x2800  }
0x2d: {  	[sflag:s23] =	ssyncset.done $0x0  }
0x2e: {  	[sflag:s23] =	ssyncadd.s32 $0xFFFFD800  }
0x2f: {  	[spmem:s8] =	stream.linear.scatter [tilespmem:s22], [sflag:$0x1], $0x2800, $0x38;
	[tilespmem:$0x5080] =	vst v63  }
0x30: {  	_ =	swait.ge [sflag:s23], $0x2800  }
0x31: {  	[sflag:s23] =	ssyncset.done $0x0  }
0x32: {  	[sflag:s23] =	ssyncadd.s32 $0xFFFFD800  }
0x33: {  	[spmem:s9] =	stream.linear.scatter [tilespmem:s22], [sflag:$0x1], $0x2800, $0x38;
	[tilespmem:$0x5080] =	vst v63  }
0x34: {  	_ =	swait.ge [sflag:s23], $0x2800  }
0x35: {  	[sflag:s23] =	ssyncset.done $0x0  }
0x36: {  	[sflag:s23] =	ssyncadd.s32 $0xFFFFD800  }
0x37: {  	[spmem:s10] =	stream.linear.scatter [tilespmem:s22], [sflag:$0x1], $0x2800, $0x38;
	[tilespmem:$0x5080] =	vst v63  }
0x38: {  	_ =	swait.ge [sflag:s23], $0x2800  }
0x39: {  	[sflag:s23] =	ssyncset.done $0x0  }
0x3a: {  	[sflag:s23] =	ssyncadd.s32 $0xFFFFD800  }
0x3b: {  	[spmem:s11] =	stream.linear.scatter [tilespmem:s22], [sflag:$0x1], $0x2800, $0x38;
	[tilespmem:$0x5080] =	vst v63  }
0x3c: {  	_ =	swait.ge [sflag:s23], $0x2800  }
0x3d: {  	[sflag:s23] =	ssyncset.done $0x0  }
0x3e: {  	s26 =	simm.s32 $0x200;
	s28 =	simm.s32 $0x0;
	[sflag:s23] =	ssyncadd.s32 $0xFFFFD800  }
.LBB2_4:
0x3f: {  	p0 =	sne.s32 s26, $0x9E00;
	[tilespmem:s28+$0x80] =	vst v1;
	s28 =	smov.u32 s26;
	s26 =	sadd.s32 $0x200, s26  }
.Ltmp1:
0x40: {  	(pc) =	sbr.rel @p0 .LBB2_4-.Ltmp1, $2  }
0x41: {  	_ =	sdelay $0x2  }
0x42: {  	s28 =	sshra.s32 s28, $0x2  }
0x43: {  	[tilespmem:s28+$0x80] =	vst v1  }
0x44: {  	s26 =	sadd.s32 $0x0, s21;
	[bflag:$0x0] =	sbarrier.arrive $0xFFFF  }
0x45: {  	[tilespmem:s3], [sflag:$0x1] =	stream.linear.gather [hbm4b:s26+s3], $0x80, $0x38;
	[tilespmem:$0x5080] =	vst v63  }
0x46: {  	_ =	swait.ge [sflag:s23], $0x80  }
0x47: {  	[sflag:s23] =	ssyncset.done $0x0  }
0x48: {  	[sflag:s23] =	ssyncadd.s32 $0xFFFFFF80  }
0x49: {  	[spmem:s2] =	stream.indirect.scatter.add.f32 [tilespmem:s22], [sflag:$0x1], $0x10, s3, s24, $0xb8;
	[tilespmem:$0x5080] =	vst v63  }
0x4a: {  	_ =	swait.ge [sflag:s23], $0x500  }
0x4b: {  	s28 =	simm.s32 $0x20;
	s26 =	simm.s32 $0x10;
	[sflag:s23] =	ssyncset.done $0x0  }
.LBB2_6:
0x4c: {  	s29 =	sadd.s32 s26, s21  }
0x4d: {  	[sflag:s23] =	ssyncadd.s32 $0xFFFFFB00;
	s26 =	smov.u32 s28;
	s30 =	sadd.s32 $0x10, s28  }
0x4e: {  	[tilespmem:s3], [sflag:$0x1] =	stream.linear.gather [hbm4b:s29+s3], $0x80, $0x38;
	[tilespmem:$0x5080] =	vst v63  }
0x4f: {  	p0 =	sne.s32 s28, $0xF90;
	_ =	swait.ge [sflag:s23], $0x80  }
.Ltmp2:
0x50: {  	[sflag:s23] =	ssyncset.done $0x0;
	(pc) =	sbr.rel @p0 .LBB2_6-.Ltmp2, $4  }
0x51: {  	[sflag:s23] =	ssyncadd.s32 $0xFFFFFF80  }
0x52: {  	[spmem:s2] =	stream.indirect.scatter.add.f32 [tilespmem:s22], [sflag:$0x1], $0x10, s3, s24, $0xb8;
	[tilespmem:$0x5080] =	vst v63  }
0x53: {  	_ =	swait.ge [sflag:s23], $0x500  }
0x54: {  	s28 =	smov.u32 s30;
	[sflag:s23] =	ssyncset.done $0x0  }
0x55: {  	s26 =	sadd.s32 s26, s21;
	[sflag:s23] =	ssyncadd.s32 $0xFFFFFB00  }
0x56: {  	[tilespmem:s3], [sflag:$0x1] =	stream.linear.gather [hbm4b:s26+s3], $0x80, $0x38;
	[tilespmem:$0x5080] =	vst v63  }
0x57: {  	_ =	swait.ge [sflag:s23], $0x80  }
0x58: {  	[sflag:s23] =	ssyncset.done $0x0  }
0x59: {  	[sflag:s23] =	ssyncadd.s32 $0xFFFFFF80  }
0x5a: {  	[spmem:s2] =	stream.indirect.scatter.add.f32 [tilespmem:s22], [sflag:$0x1], $0x10, s3, s24, $0xb8;
	[tilespmem:$0x5080] =	vst v63  }
0x5b: {  	_ =	swait.ge [sflag:s23], $0x500  }
0x5c: {  	[sflag:s23] =	ssyncset.done $0x0  }
0x5d: {  	s30 =	sshll.u32 s1, $0x6;
	[sflag:s23] =	ssyncadd.s32 $0xFFFFFB00  }
0x5e: {  	s28 =	sshrl.u32 s4, $0x3;
	s26 =	sor.u32 $0x1C01, s30;
	[bflag:$0x0] =	sbarrier.arrive $0xFFFF  }
0x5f: {  	[hbm:s12], [sflag:s26] =	dma.local [spmem:s28], $0x500  }
0x60: {  	_ =	swait.ge [sflag:s23], $0x500  }
0x61: {  	[sflag:s23] =	ssyncset.done $0x0  }
0x62: {  	s31 =	sshrl.u32 s5, $0x3;
	[sflag:s23] =	ssyncadd.s32 $0xFFFFFB00  }
0x63: {  	[hbm:s13], [sflag:s26] =	dma.local [spmem:s31], $0x500  }
0x64: {  	_ =	swait.ge [sflag:s23], $0x500  }
0x65: {  	[sflag:s23] =	ssyncset.done $0x0  }
0x66: {  	s29 =	sshrl.u32 s6, $0x3;
	[sflag:s23] =	ssyncadd.s32 $0xFFFFFB00  }
0x67: {  	[hbm:s14], [sflag:s26] =	dma.local [spmem:s29], $0x500  }
0x68: {  	_ =	swait.ge [sflag:s23], $0x500  }
0x69: {  	[sflag:s23] =	ssyncset.done $0x0  }
0x6a: {  	s30 =	sshrl.u32 s7, $0x3;
	[sflag:s23] =	ssyncadd.s32 $0xFFFFFB00  }
0x6b: {  	[hbm:s15], [sflag:s26] =	dma.local [spmem:s30], $0x500  }
0x6c: {  	_ =	swait.ge [sflag:s23], $0x500  }
0x6d: {  	[sflag:s23] =	ssyncset.done $0x0  }
0x6e: {  	s31 =	sshrl.u32 s8, $0x3;
	[sflag:s23] =	ssyncadd.s32 $0xFFFFFB00  }
0x6f: {  	[hbm:s16], [sflag:s26] =	dma.local [spmem:s31], $0x500  }
0x70: {  	_ =	swait.ge [sflag:s23], $0x500  }
0x71: {  	[sflag:s23] =	ssyncset.done $0x0  }
0x72: {  	s29 =	sshrl.u32 s9, $0x3;
	[sflag:s23] =	ssyncadd.s32 $0xFFFFFB00  }
0x73: {  	[hbm:s17], [sflag:s26] =	dma.local [spmem:s29], $0x500  }
0x74: {  	_ =	swait.ge [sflag:s23], $0x500  }
0x75: {  	[sflag:s23] =	ssyncset.done $0x0  }
0x76: {  	s30 =	sshrl.u32 s10, $0x3;
	[sflag:s23] =	ssyncadd.s32 $0xFFFFFB00  }
0x77: {  	[hbm:s18], [sflag:s26] =	dma.local [spmem:s30], $0x500  }
0x78: {  	s25 =	sadd.s32 $0x1, s25;
	_ =	swait.ge [sflag:s23], $0x500  }
0x79: {  	p0 =	sne.s32 s25, s20;
	[sflag:s23] =	ssyncset.done $0x0  }
.Ltmp3:
0x7a: {  	s31 =	sshrl.u32 s11, $0x3;
	[sflag:s23] =	ssyncadd.s32 $0xFFFFFB00;
	(pc) =	sbr.rel @p0 .LBB2_1-.Ltmp3, $4  }
0x7b: {  	[hbm:s19], [sflag:s26] =	dma.local [spmem:s31], $0x500  }
0x7c: {  	_ =	swait.ge [sflag:s23], $0x500  }
0x7d: {  	[sflag:s23] =	ssyncset.done $0x0  }
0x7e: {  	[sflag:s23] =	ssyncadd.s32 $0xFFFFFB00  }
0x7f: {  	_ =	sfence.sel $0x180000  }
0x80: {  	[bflag:$0x0] =	sbarrier.arrive $0xFFFF  }
0x81: {  	p0 =	sne.s32 s1, $0x0;
	_ =	strace $0x90000047  }
0x82: {  	s0 =	sadd.s32 @!p0 $0x100000, s0;
	[bflag:$0x2] =	sbarrier.arrive $0xFFFF  }
0x83: {  	[sflag:s0] =	ssyncadd.tile.s32 @!p0 $0x1;
	_ =	shalt  }
.Lfunc_end2:
_tile_overlayer_lowered:
.L_overlay_start_2:
0x84: {  	(tag) =	ssettag $0x2  }
0x85: {  	s0 =	rddreg [dreg:$0x0];
	s2 =	stileid.u32  }
0x86: {  	s1 =	rddreg [dreg:$0x1];
	p0 =	sne.s32 s2, $0x0  }
0x87: {  	s3 =	rddreg [dreg:$0x2];
	[bflag:$0x3] =	sbarrier.arrive $0xFFFF;
	s2 =	simm.s32 @!p0 $0x1C01  }
0x88: {  	[timem:s3], [sflag:s2] =	dma.local @!p0 [hbm:s0], s1  }
0x89: {  	s0 =	simm.s32 @!p0 $0x1  }
0x8a: {  	_ =	swait.ge @!p0 [sflag:s0], s1  }
0x8b: {  	s1 =	ssub.s32 @!p0 $0x0, s1;
	[sflag:s0] =	ssyncset.done @!p0 $0x0  }
0x8c: {  	[sflag:s0] =	ssyncadd.s32 @!p0 s1  }
0x8d: {  	[bflag:$0x3] =	sbarrier.arrive $0xFFFF  }
0x8e: {  	_ =	shalt  }

</sc_bundles>
